<compile_context>
chip_gen: v7x
topology: tpu7x:2x2x1
jax: 0.10.2.dev20260603
libtpu: 0.0.44.dev20260713+nightly
codegen_flags: <defaults>
</compile_context>

<pallas_src>
import functools

import jax
import jax.numpy as jnp
from jax import lax
from jax.experimental import pallas as pl
from jax.experimental.pallas import tpu as pltpu
from jax.experimental.pallas import tpu_sc as plsc

_B = 4096
_L = 200
_D = 64
_V = 1000000
_NC = 2
_NS = 16
_NW = _NC * _NS
_ROWS = _B // _NW
_CHUNK = 100
_NCHUNK = _L // _CHUNK
_NV = _D // 16
_CSTRIDE = 104


def _pool_body(x_hbm, tab_hbm, out_hbm,
               idx_v, rows0, rows1, pooled_v, sem0, sem1):
    wid = lax.axis_index("s") * _NC + lax.axis_index("c")
    base = wid * _ROWS
    pltpu.sync_copy(x_hbm.at[pl.ds(base * _NCHUNK, _ROWS * _NCHUNK)], idx_v)

    def copies(r, rows_v, sem):
        return [
            pltpu.make_async_copy(
                tab_hbm.at[idx_v.at[r * _NCHUNK + c]],
                rows_v.at[pl.ds(c * _CSTRIDE, _CHUNK)],
                sem,
            )
            for c in range(_NCHUNK)
        ]

    def start(r, rows_v, sem):
        for cp in copies(r, rows_v, sem):
            cp.start()

    def wait(r, rows_v, sem):
        for cp in copies(r, rows_v, sem):
            cp.wait()

    inv_len = jnp.full((16,), 1.0 / _L, dtype=jnp.float32)

    def reduce_row(rows_v, r):
        accs = tuple(jnp.zeros((16,), jnp.float32) for _ in range(_NV))
        for c in range(_NCHUNK):
            def body(j, accs, _c=c):
                return tuple(
                    a + rows_v[_c * _CSTRIDE + j, pl.ds(v * 16, 16)]
                    for v, a in enumerate(accs))
            accs = lax.fori_loop(0, _CHUNK, body, accs, unroll=8)
        for v, a in enumerate(accs):
            pooled_v[r, pl.ds(v * 16, 16)] = a * inv_len

    start(0, rows0, sem0)

    def outer(k, carry):
        r0 = 2 * k
        wait(r0, rows0, sem0)
        start(r0 + 1, rows1, sem1)
        reduce_row(rows0, r0)
        wait(r0 + 1, rows1, sem1)

        @pl.when(r0 + 2 < _ROWS)
        def _():
            start(r0 + 2, rows0, sem0)

        reduce_row(rows1, r0 + 1)
        return carry

    lax.fori_loop(0, _ROWS // 2, outer, 0)
    pltpu.sync_copy(pooled_v, out_hbm.at[pl.ds(base, _ROWS)])


def _sc_pool(x2, table128):
    mesh = plsc.VectorSubcoreMesh(core_axis_name="c", subcore_axis_name="s")
    nbuf = (_NCHUNK - 1) * _CSTRIDE + _CHUNK
    return pl.kernel(
        _pool_body,
        out_type=jax.ShapeDtypeStruct((_B, _D), jnp.float32),
        mesh=mesh,
        scratch_types=[
            pltpu.VMEM((_ROWS * _NCHUNK, _CHUNK), jnp.int32),
            pltpu.VMEM((nbuf, 128), jnp.float32),
            pltpu.VMEM((nbuf, 128), jnp.float32),
            pltpu.VMEM((_ROWS, _D), jnp.float32),
            pltpu.SemaphoreType.DMA,
            pltpu.SemaphoreType.DMA,
        ],
    )(x2, table128)


def _mlp_body(p_ref, w1_ref, b1_ref, w2_ref, b2_ref, o_ref):
    h = jnp.dot(p_ref[...], w1_ref[...], preferred_element_type=jnp.float32)
    h = jnp.maximum(h + b1_ref[...], 0.0)
    o = jnp.dot(h, w2_ref[...], preferred_element_type=jnp.float32)
    o = o + b2_ref[...]
    m = jnp.max(o, axis=1, keepdims=True)
    lse = jnp.log(jnp.sum(jnp.exp(o - m), axis=1, keepdims=True)) + m
    o_ref[...] = o - lse


def _mlp(pooled, W1, b1, W2, b2):
    return pl.pallas_call(
        _mlp_body,
        out_shape=jax.ShapeDtypeStruct((_B, 2), jnp.float32),
    )(pooled, W1, b1, W2, b2)


def kernel(x, embedding_matrix, W1, b1, W2, b2):
    x2 = x.astype(jnp.int32).reshape(_B * _NCHUNK, _CHUNK)
    table128 = jnp.pad(embedding_matrix, ((0, 0), (0, 128 - _D)))
    pooled = _sc_pool(x2, table128)
    return _mlp(pooled, W1, b1.reshape(1, -1), W2, b2.reshape(1, -1))

# --- scband reference (transcript-rebuilt; emitter-appended) ---
"""Pipeline reference for scband-dan-73452530696522 (READ-ONLY COPY).

The authoritative reference and input builder live on the scoring server;
editing this copy changes nothing except your own understanding.
"""

import jax, jax.numpy as jnp
import numpy as np

VOCAB = 1000000
EMBED_DIM = 64
HIDDEN_DIM = 100
OUTPUT_DIM = 2
BATCH = 4096
MAX_LEN = 200


def setup_inputs(seed: int = 0) -> dict:
    key = jax.random.key(seed)
    k_idx, k_tab, k_w1, k_b1, k_w2, k_b2 = jax.random.split(key, 6)
    x = jax.random.randint(k_idx, (BATCH, MAX_LEN), 0, VOCAB, dtype=jnp.int64 if jax.config.jax_enable_x64 else jnp.int32)
    embedding_matrix = jax.random.normal(k_tab, (VOCAB, EMBED_DIM), dtype=jnp.float32) * 0.1
    W1 = jax.random.normal(k_w1, (EMBED_DIM, HIDDEN_DIM), dtype=jnp.float32) * (1.0 / np.sqrt(EMBED_DIM))
    b1 = jax.random.normal(k_b1, (HIDDEN_DIM,), dtype=jnp.float32) * 0.01
    W2 = jax.random.normal(k_w2, (HIDDEN_DIM, OUTPUT_DIM), dtype=jnp.float32) * (1.0 / np.sqrt(HIDDEN_DIM))
    b2 = jax.random.normal(k_b2, (OUTPUT_DIM,), dtype=jnp.float32) * 0.01
    return {"x": x, "embedding_matrix": embedding_matrix, "W1": W1, "b1": b1, "W2": W2, "b2": b2}


def reference(x, embedding_matrix, W1, b1, W2, b2):
    # embedding lookup (gather)
    embedded = jnp.take(embedding_matrix, x, axis=0)          # [B, L, D]
    averaged = jnp.mean(embedded, axis=1)                     # [B, D]
    hidden = jax.nn.relu(averaged @ W1 + b1)                  # [B, H]
    # dropout is identity at inference time
    output = hidden @ W2 + b2                                 # [B, C]
    return jax.nn.log_softmax(output, axis=1)

if __name__ == "__main__":
    import jax
    _d = setup_inputs()
    print(jax.jit(kernel)(*tuple(_d.values())))

</pallas_src>

<mosaic_0001>
#map = affine_map<(d0, d1) -> (0, 0)>
module attributes {stable_mosaic.version = 14 : i64} {
  func.func @_pool_body(%arg0: i32, %arg1: i32, %arg2: memref<8192x100xi32, #tpu.memory_space<hbm>>, %arg3: memref<1000000x128xf32, #tpu.memory_space<hbm>>, %arg4: memref<4096x64xf32, #tpu.memory_space<hbm>>, %arg5: memref<256x100xi32, #tpu.memory_space<vmem>>, %arg6: memref<204x128xf32, #tpu.memory_space<vmem>>, %arg7: memref<204x128xf32, #tpu.memory_space<vmem>>, %arg8: memref<128x64xf32, #tpu.memory_space<vmem>>, %arg9: memref<!tpu.dma_semaphore, #tpu.memory_space<semaphore_mem>>, %arg10: memref<!tpu.dma_semaphore, #tpu.memory_space<semaphore_mem>>) attributes {dimension_semantics = [#tpu.dimension_semantics<core_parallel>, #tpu.dimension_semantics<subcore_parallel>], iteration_bounds = array<i64: 2, 16>, scalar_prefetch = 0 : i64, scratch_operands = 6 : i64, tpu.core_type = #tpu.core_type<sc_vector_subcore>, window_params = [{transform_indices = #map}, {transform_indices = #map}, {transform_indices = #map}]} {
    %mul3A = arith.constant 2 : i32
    %mul3A_0 = arith.muli %arg1, %mul3A : i32
    %add3A = arith.addi %mul3A_0, %arg0 : i32
    %mul3A_1 = arith.constant 128 : i32
    %mul3A_2 = arith.muli %add3A, %mul3A_1 : i32
    %mul3A_3 = arith.constant 2 : i32
    %mul3A_4 = arith.muli %mul3A_2, %mul3A_3 : i32
    "tpu.region"() ({
      %run_scoped3A = tpu.sem_alloc : memref<!tpu.dma_semaphore, #tpu.memory_space<semaphore_mem>>
      %dma_start3A_30 = arith.constant 0 : i32
      %dma_start3A_31 = tpu.memref_slice %arg2[%mul3A_4, %dma_start3A_30] : memref<8192x100xi32, #tpu.memory_space<hbm>> -> memref<256x100xi32, #tpu.memory_space<hbm>>
      %dma_start3A_32 = arith.constant 0 : i32
      %dma_start3A_33 = tpu.memref_slice %arg2[%mul3A_4, %dma_start3A_32] : memref<8192x100xi32, #tpu.memory_space<hbm>> -> memref<256x100xi32, #tpu.memory_space<hbm>>
      tpu.enqueue_dma source(%dma_start3A_33 : memref<256x100xi32, #tpu.memory_space<hbm>>) target(%arg5 : memref<256x100xi32, #tpu.memory_space<vmem>>) target_semaphore(%run_scoped3A : memref<!tpu.dma_semaphore, #tpu.memory_space<semaphore_mem>>)
      %dma_wait3A = arith.constant 0 : i32
      %dma_wait3A_34 = tpu.memref_slice %arg2[%mul3A_4, %dma_wait3A] : memref<8192x100xi32, #tpu.memory_space<hbm>> -> memref<256x100xi32, #tpu.memory_space<hbm>>
      %dma_wait3A_35 = arith.constant 0 : i32
      %dma_wait3A_36 = tpu.memref_slice %arg2[%mul3A_4, %dma_wait3A_35] : memref<8192x100xi32, #tpu.memory_space<hbm>> -> memref<256x100xi32, #tpu.memory_space<hbm>>
      tpu.wait_dma2 semaphore(%run_scoped3A : memref<!tpu.dma_semaphore, #tpu.memory_space<semaphore_mem>>) src(%dma_wait3A_36 : memref<256x100xi32, #tpu.memory_space<hbm>>) dst(%arg5 : memref<256x100xi32, #tpu.memory_space<vmem>>)
      tpu.yield
    }) : () -> ()
    %broadcast_in_dim3A = arith.constant 5.000000e-03 : f32
    %broadcast_in_dim3A_5 = vector.broadcast %broadcast_in_dim3A : f32 to vector<16xf32>
    %dma_start3A = arith.constant 0 : i32
    %dma_start3A_6 = arith.constant 0 : i32
    %dma_start3A_7 = arith.constant 0 : i32
    %dma_start3A_8 = tpu.memref_slice %arg6[%dma_start3A_6, %dma_start3A_7] : memref<204x128xf32, #tpu.memory_space<vmem>> -> memref<100x128xf32, #tpu.memory_space<vmem>>
    %dma_start3A_9 = arith.constant 0 : i32
    %dma_start3A_10 = tpu.memref_slice %arg5[%dma_start3A, %dma_start3A_9] : memref<256x100xi32, #tpu.memory_space<vmem>> -> memref<1x100xi32, #tpu.memory_space<vmem>>
    %dma_start3A_11 = tpu.memref_squeeze %dma_start3A_10 : memref<1x100xi32, #tpu.memory_space<vmem>> -> memref<100xi32, #tpu.memory_space<vmem>>
    %dma_start3A_12 = arith.constant 0 : i32
    %dma_start3A_13 = arith.constant 0 : i32
    %dma_start3A_14 = tpu.memref_slice %arg3[%dma_start3A_12, %dma_start3A_13] : memref<1000000x128xf32, #tpu.memory_space<hbm>> -> memref<1000000x128xf32, #tpu.memory_space<hbm>>
    tpu.enqueue_indirect_dma source(%dma_start3A_14 : memref<1000000x128xf32, #tpu.memory_space<hbm>>) target(%dma_start3A_8 : memref<100x128xf32, #tpu.memory_space<vmem>>) offsets(%dma_start3A_11 : memref<100xi32, #tpu.memory_space<vmem>>) semaphore(%arg9 : memref<!tpu.dma_semaphore, #tpu.memory_space<semaphore_mem>>)
    %dma_start3A_15 = arith.constant 1 : i32
    %dma_start3A_16 = arith.constant 104 : i32
    %dma_start3A_17 = arith.constant 0 : i32
    %dma_start3A_18 = tpu.memref_slice %arg6[%dma_start3A_16, %dma_start3A_17] : memref<204x128xf32, #tpu.memory_space<vmem>> -> memref<100x128xf32, #tpu.memory_space<vmem>>
    %dma_start3A_19 = arith.constant 0 : i32
    %dma_start3A_20 = tpu.memref_slice %arg5[%dma_start3A_15, %dma_start3A_19] : memref<256x100xi32, #tpu.memory_space<vmem>> -> memref<1x100xi32, #tpu.memory_space<vmem>>
    %dma_start3A_21 = tpu.memref_squeeze %dma_start3A_20 : memref<1x100xi32, #tpu.memory_space<vmem>> -> memref<100xi32, #tpu.memory_space<vmem>>
    %dma_start3A_22 = arith.constant 0 : i32
    %dma_start3A_23 = arith.constant 0 : i32
    %dma_start3A_24 = tpu.memref_slice %arg3[%dma_start3A_22, %dma_start3A_23] : memref<1000000x128xf32, #tpu.memory_space<hbm>> -> memref<1000000x128xf32, #tpu.memory_space<hbm>>
    tpu.enqueue_indirect_dma source(%dma_start3A_24 : memref<1000000x128xf32, #tpu.memory_space<hbm>>) target(%dma_start3A_18 : memref<100x128xf32, #tpu.memory_space<vmem>>) offsets(%dma_start3A_21 : memref<100xi32, #tpu.memory_space<vmem>>) semaphore(%arg9 : memref<!tpu.dma_semaphore, #tpu.memory_space<semaphore_mem>>)
    %scan3A = arith.constant 0 : i32
    %scan3A_25 = arith.constant 0 : i32
    %scan3A_26 = arith.constant 64 : i32
    %scan3A_27 = arith.addi %scan3A_25, %scan3A_26 : i32
    %scan3A_28 = arith.constant 1 : i32
    scf.for %scan3A_30 = %scan3A_25 to %scan3A_27 step %scan3A_28  : i32 {
      %mul3A_31 = arith.constant 2 : i32
      %mul3A_32 = arith.muli %mul3A_31, %scan3A_30 : i32
      %mul3A_33 = arith.constant 2 : i32
      %mul3A_34 = arith.muli %mul3A_32, %mul3A_33 : i32
      %add3A_35 = arith.constant 0 : i32
      %add3A_36 = arith.addi %mul3A_34, %add3A_35 : i32
      %mul3A_37 = arith.constant 2 : i32
      %mul3A_38 = arith.muli %mul3A_32, %mul3A_37 : i32
      %add3A_39 = arith.constant 1 : i32
      %add3A_40 = arith.addi %mul3A_38, %add3A_39 : i32
      %dma_wait3A = arith.constant 0 : i32
      %dma_wait3A_41 = arith.constant 0 : i32
      %dma_wait3A_42 = tpu.memref_slice %arg6[%dma_wait3A, %dma_wait3A_41] : memref<204x128xf32, #tpu.memory_space<vmem>> -> memref<100x128xf32, #tpu.memory_space<vmem>>
      %dma_wait3A_43 = arith.constant 0 : i32
      %dma_wait3A_44 = tpu.memref_slice %arg5[%add3A_36, %dma_wait3A_43] : memref<256x100xi32, #tpu.memory_space<vmem>> -> memref<1x100xi32, #tpu.memory_space<vmem>>
      %dma_wait3A_45 = tpu.memref_squeeze %dma_wait3A_44 : memref<1x100xi32, #tpu.memory_space<vmem>> -> memref<100xi32, #tpu.memory_space<vmem>>
      %dma_wait3A_46 = arith.constant 0 : i32
      %dma_wait3A_47 = arith.constant 0 : i32
      %dma_wait3A_48 = tpu.memref_slice %arg3[%dma_wait3A_46, %dma_wait3A_47] : memref<1000000x128xf32, #tpu.memory_space<hbm>> -> memref<1000000x128xf32, #tpu.memory_space<hbm>>
      tpu.wait_indirect_dma semaphore(%arg9 : memref<!tpu.dma_semaphore, #tpu.memory_space<semaphore_mem>>) src(%dma_wait3A_48 : memref<1000000x128xf32, #tpu.memory_space<hbm>>) dst(%dma_wait3A_42 : memref<100x128xf32, #tpu.memory_space<vmem>>)
      %dma_wait3A_49 = arith.constant 104 : i32
      %dma_wait3A_50 = arith.constant 0 : i32
      %dma_wait3A_51 = tpu.memref_slice %arg6[%dma_wait3A_49, %dma_wait3A_50] : memref<204x128xf32, #tpu.memory_space<vmem>> -> memref<100x128xf32, #tpu.memory_space<vmem>>
      %dma_wait3A_52 = arith.constant 0 : i32
      %dma_wait3A_53 = tpu.memref_slice %arg5[%add3A_40, %dma_wait3A_52] : memref<256x100xi32, #tpu.memory_space<vmem>> -> memref<1x100xi32, #tpu.memory_space<vmem>>
      %dma_wait3A_54 = tpu.memref_squeeze %dma_wait3A_53 : memref<1x100xi32, #tpu.memory_space<vmem>> -> memref<100xi32, #tpu.memory_space<vmem>>
      %dma_wait3A_55 = arith.constant 0 : i32
      %dma_wait3A_56 = arith.constant 0 : i32
      %dma_wait3A_57 = tpu.memref_slice %arg3[%dma_wait3A_55, %dma_wait3A_56] : memref<1000000x128xf32, #tpu.memory_space<hbm>> -> memref<1000000x128xf32, #tpu.memory_space<hbm>>
      tpu.wait_indirect_dma semaphore(%arg9 : memref<!tpu.dma_semaphore, #tpu.memory_space<semaphore_mem>>) src(%dma_wait3A_57 : memref<1000000x128xf32, #tpu.memory_space<hbm>>) dst(%dma_wait3A_51 : memref<100x128xf32, #tpu.memory_space<vmem>>)
      %add3A_58 = arith.constant 1 : i32
      %add3A_59 = arith.addi %mul3A_32, %add3A_58 : i32
      %mul3A_60 = arith.constant 2 : i32
      %mul3A_61 = arith.muli %add3A_59, %mul3A_60 : i32
      %add3A_62 = arith.constant 0 : i32
      %add3A_63 = arith.addi %mul3A_61, %add3A_62 : i32
      %mul3A_64 = arith.constant 2 : i32
      %mul3A_65 = arith.muli %add3A_59, %mul3A_64 : i32
      %add3A_66 = arith.constant 1 : i32
      %add3A_67 = arith.addi %mul3A_65, %add3A_66 : i32
      %dma_start3A_68 = arith.constant 0 : i32
      %dma_start3A_69 = arith.constant 0 : i32
      %dma_start3A_70 = tpu.memref_slice %arg7[%dma_start3A_68, %dma_start3A_69] : memref<204x128xf32, #tpu.memory_space<vmem>> -> memref<100x128xf32, #tpu.memory_space<vmem>>
      %dma_start3A_71 = arith.constant 0 : i32
      %dma_start3A_72 = tpu.memref_slice %arg5[%add3A_63, %dma_start3A_71] : memref<256x100xi32, #tpu.memory_space<vmem>> -> memref<1x100xi32, #tpu.memory_space<vmem>>
      %dma_start3A_73 = tpu.memref_squeeze %dma_start3A_72 : memref<1x100xi32, #tpu.memory_space<vmem>> -> memref<100xi32, #tpu.memory_space<vmem>>
      %dma_start3A_74 = arith.constant 0 : i32
      %dma_start3A_75 = arith.constant 0 : i32
      %dma_start3A_76 = tpu.memref_slice %arg3[%dma_start3A_74, %dma_start3A_75] : memref<1000000x128xf32, #tpu.memory_space<hbm>> -> memref<1000000x128xf32, #tpu.memory_space<hbm>>
      tpu.enqueue_indirect_dma source(%dma_start3A_76 : memref<1000000x128xf32, #tpu.memory_space<hbm>>) target(%dma_start3A_70 : memref<100x128xf32, #tpu.memory_space<vmem>>) offsets(%dma_start3A_73 : memref<100xi32, #tpu.memory_space<vmem>>) semaphore(%arg10 : memref<!tpu.dma_semaphore, #tpu.memory_space<semaphore_mem>>)
      %dma_start3A_77 = arith.constant 104 : i32
      %dma_start3A_78 = arith.constant 0 : i32
      %dma_start3A_79 = tpu.memref_slice %arg7[%dma_start3A_77, %dma_start3A_78] : memref<204x128xf32, #tpu.memory_space<vmem>> -> memref<100x128xf32, #tpu.memory_space<vmem>>
      %dma_start3A_80 = arith.constant 0 : i32
      %dma_start3A_81 = tpu.memref_slice %arg5[%add3A_67, %dma_start3A_80] : memref<256x100xi32, #tpu.memory_space<vmem>> -> memref<1x100xi32, #tpu.memory_space<vmem>>
      %dma_start3A_82 = tpu.memref_squeeze %dma_start3A_81 : memref<1x100xi32, #tpu.memory_space<vmem>> -> memref<100xi32, #tpu.memory_space<vmem>>
      %dma_start3A_83 = arith.constant 0 : i32
      %dma_start3A_84 = arith.constant 0 : i32
      %dma_start3A_85 = tpu.memref_slice %arg3[%dma_start3A_83, %dma_start3A_84] : memref<1000000x128xf32, #tpu.memory_space<hbm>> -> memref<1000000x128xf32, #tpu.memory_space<hbm>>
      tpu.enqueue_indirect_dma source(%dma_start3A_85 : memref<1000000x128xf32, #tpu.memory_space<hbm>>) target(%dma_start3A_79 : memref<100x128xf32, #tpu.memory_space<vmem>>) offsets(%dma_start3A_82 : memref<100xi32, #tpu.memory_space<vmem>>) semaphore(%arg10 : memref<!tpu.dma_semaphore, #tpu.memory_space<semaphore_mem>>)
      %broadcast_in_dim3A_86 = arith.constant 0.000000e+00 : f32
      %broadcast_in_dim3A_87 = vector.broadcast %broadcast_in_dim3A_86 : f32 to vector<16xf32>
      %broadcast_in_dim3A_88 = arith.constant 0.000000e+00 : f32
      %broadcast_in_dim3A_89 = vector.broadcast %broadcast_in_dim3A_88 : f32 to vector<16xf32>
      %broadcast_in_dim3A_90 = arith.constant 0.000000e+00 : f32
      %broadcast_in_dim3A_91 = vector.broadcast %broadcast_in_dim3A_90 : f32 to vector<16xf32>
      %broadcast_in_dim3A_92 = arith.constant 0.000000e+00 : f32
      %broadcast_in_dim3A_93 = vector.broadcast %broadcast_in_dim3A_92 : f32 to vector<16xf32>
      %scan3A_94 = arith.constant 0 : i32
      %scan3A_95 = arith.constant 96 : i32
      %scan3A_96 = arith.addi %scan3A_94, %scan3A_95 : i32
      %scan3A_97 = arith.constant 8 : i32
      %scan3A_98:4 = scf.for %scan3A_686 = %scan3A_94 to %scan3A_96 step %scan3A_97 iter_args(%scan3A_687 = %broadcast_in_dim3A_87, %scan3A_688 = %broadcast_in_dim3A_89, %scan3A_689 = %broadcast_in_dim3A_91, %scan3A_690 = %broadcast_in_dim3A_93) -> (vector<16xf32>, vector<16xf32>, vector<16xf32>, vector<16xf32>)  : i32 {
        %add3A_691 = arith.constant 0 : i32
        %add3A_692 = arith.addi %add3A_691, %scan3A_686 : i32
        %get3A_693 = arith.index_cast %add3A_692 : i32 to index
        %get3A_694 = arith.constant 0 : index
        %get3A_695 = tpu.vector_load %arg6[%get3A_693, %get3A_694] {strides = array<i32>} : memref<204x128xf32, #tpu.memory_space<vmem>>, vector<1x16xf32>,
        %get3A_696 = vector.shape_cast %get3A_695 : vector<1x16xf32> to vector<16xf32>
        %add3A_697 = arith.addf %scan3A_687, %get3A_696 : vector<16xf32>
        %add3A_698 = arith.constant 0 : i32
        %add3A_699 = arith.addi %add3A_698, %scan3A_686 : i32
        %get3A_700 = arith.index_cast %add3A_699 : i32 to index
        %get3A_701 = arith.constant 16 : index
        %get3A_702 = tpu.vector_load %arg6[%get3A_700, %get3A_701] {strides = array<i32>} : memref<204x128xf32, #tpu.memory_space<vmem>>, vector<1x16xf32>,
        %get3A_703 = vector.shape_cast %get3A_702 : vector<1x16xf32> to vector<16xf32>
        %add3A_704 = arith.addf %scan3A_688, %get3A_703 : vector<16xf32>
        %add3A_705 = arith.constant 0 : i32
        %add3A_706 = arith.addi %add3A_705, %scan3A_686 : i32
        %get3A_707 = arith.index_cast %add3A_706 : i32 to index
        %get3A_708 = arith.constant 32 : index
        %get3A_709 = tpu.vector_load %arg6[%get3A_707, %get3A_708] {strides = array<i32>} : memref<204x128xf32, #tpu.memory_space<vmem>>, vector<1x16xf32>,
        %get3A_710 = vector.shape_cast %get3A_709 : vector<1x16xf32> to vector<16xf32>
        %add3A_711 = arith.addf %scan3A_689, %get3A_710 : vector<16xf32>
        %add3A_712 = arith.constant 0 : i32
        %add3A_713 = arith.addi %add3A_712, %scan3A_686 : i32
        %get3A_714 = arith.index_cast %add3A_713 : i32 to index
        %get3A_715 = arith.constant 48 : index
        %get3A_716 = tpu.vector_load %arg6[%get3A_714, %get3A_715] {strides = array<i32>} : memref<204x128xf32, #tpu.memory_space<vmem>>, vector<1x16xf32>,
        %get3A_717 = vector.shape_cast %get3A_716 : vector<1x16xf32> to vector<16xf32>
        %add3A_718 = arith.addf %scan3A_690, %get3A_717 : vector<16xf32>
        %scan3A_719 = arith.constant 1 : i32
        %scan3A_720 = arith.addi %scan3A_686, %scan3A_719 : i32
        %add3A_721 = arith.constant 0 : i32
        %add3A_722 = arith.addi %add3A_721, %scan3A_720 : i32
        %get3A_723 = arith.index_cast %add3A_722 : i32 to index
        %get3A_724 = arith.constant 0 : index
        %get3A_725 = tpu.vector_load %arg6[%get3A_723, %get3A_724] {strides = array<i32>} : memref<204x128xf32, #tpu.memory_space<vmem>>, vector<1x16xf32>,
        %get3A_726 = vector.shape_cast %get3A_725 : vector<1x16xf32> to vector<16xf32>
        %add3A_727 = arith.addf %add3A_697, %get3A_726 : vector<16xf32>
        %add3A_728 = arith.constant 0 : i32
        %add3A_729 = arith.addi %add3A_728, %scan3A_720 : i32
        %get3A_730 = arith.index_cast %add3A_729 : i32 to index
        %get3A_731 = arith.constant 16 : index
        %get3A_732 = tpu.vector_load %arg6[%get3A_730, %get3A_731] {strides = array<i32>} : memref<204x128xf32, #tpu.memory_space<vmem>>, vector<1x16xf32>,
        %get3A_733 = vector.shape_cast %get3A_732 : vector<1x16xf32> to vector<16xf32>
        %add3A_734 = arith.addf %add3A_704, %get3A_733 : vector<16xf32>
        %add3A_735 = arith.constant 0 : i32
        %add3A_736 = arith.addi %add3A_735, %scan3A_720 : i32
        %get3A_737 = arith.index_cast %add3A_736 : i32 to index
        %get3A_738 = arith.constant 32 : index
        %get3A_739 = tpu.vector_load %arg6[%get3A_737, %get3A_738] {strides = array<i32>} : memref<204x128xf32, #tpu.memory_space<vmem>>, vector<1x16xf32>,
        %get3A_740 = vector.shape_cast %get3A_739 : vector<1x16xf32> to vector<16xf32>
        %add3A_741 = arith.addf %add3A_711, %get3A_740 : vector<16xf32>
        %add3A_742 = arith.constant 0 : i32
        %add3A_743 = arith.addi %add3A_742, %scan3A_720 : i32
        %get3A_744 = arith.index_cast %add3A_743 : i32 to index
        %get3A_745 = arith.constant 48 : index
        %get3A_746 = tpu.vector_load %arg6[%get3A_744, %get3A_745] {strides = array<i32>} : memref<204x128xf32, #tpu.memory_space<vmem>>, vector<1x16xf32>,
        %get3A_747 = vector.shape_cast %get3A_746 : vector<1x16xf32> to vector<16xf32>
        %add3A_748 = arith.addf %add3A_718, %get3A_747 : vector<16xf32>
        %scan3A_749 = arith.constant 2 : i32
        %scan3A_750 = arith.addi %scan3A_686, %scan3A_749 : i32
        %add3A_751 = arith.constant 0 : i32
        %add3A_752 = arith.addi %add3A_751, %scan3A_750 : i32
        %get3A_753 = arith.index_cast %add3A_752 : i32 to index
        %get3A_754 = arith.constant 0 : index
        %get3A_755 = tpu.vector_load %arg6[%get3A_753, %get3A_754] {strides = array<i32>} : memref<204x128xf32, #tpu.memory_space<vmem>>, vector<1x16xf32>,
        %get3A_756 = vector.shape_cast %get3A_755 : vector<1x16xf32> to vector<16xf32>
        %add3A_757 = arith.addf %add3A_727, %get3A_756 : vector<16xf32>
        %add3A_758 = arith.constant 0 : i32
        %add3A_759 = arith.addi %add3A_758, %scan3A_750 : i32
        %get3A_760 = arith.index_cast %add3A_759 : i32 to index
        %get3A_761 = arith.constant 16 : index
        %get3A_762 = tpu.vector_load %arg6[%get3A_760, %get3A_761] {strides = array<i32>} : memref<204x128xf32, #tpu.memory_space<vmem>>, vector<1x16xf32>,
        %get3A_763 = vector.shape_cast %get3A_762 : vector<1x16xf32> to vector<16xf32>
        %add3A_764 = arith.addf %add3A_734, %get3A_763 : vector<16xf32>
        %add3A_765 = arith.constant 0 : i32
        %add3A_766 = arith.addi %add3A_765, %scan3A_750 : i32
        %get3A_767 = arith.index_cast %add3A_766 : i32 to index
        %get3A_768 = arith.constant 32 : index
        %get3A_769 = tpu.vector_load %arg6[%get3A_767, %get3A_768] {strides = array<i32>} : memref<204x128xf32, #tpu.memory_space<vmem>>, vector<1x16xf32>,
        %get3A_770 = vector.shape_cast %get3A_769 : vector<1x16xf32> to vector<16xf32>
        %add3A_771 = arith.addf %add3A_741, %get3A_770 : vector<16xf32>
        %add3A_772 = arith.constant 0 : i32
        %add3A_773 = arith.addi %add3A_772, %scan3A_750 : i32
        %get3A_774 = arith.index_cast %add3A_773 : i32 to index
        %get3A_775 = arith.constant 48 : index
        %get3A_776 = tpu.vector_load %arg6[%get3A_774, %get3A_775] {strides = array<i32>} : memref<204x128xf32, #tpu.memory_space<vmem>>, vector<1x16xf32>,
        %get3A_777 = vector.shape_cast %get3A_776 : vector<1x16xf32> to vector<16xf32>
        %add3A_778 = arith.addf %add3A_748, %get3A_777 : vector<16xf32>
        %scan3A_779 = arith.constant 3 : i32
        %scan3A_780 = arith.addi %scan3A_686, %scan3A_779 : i32
        %add3A_781 = arith.constant 0 : i32
        %add3A_782 = arith.addi %add3A_781, %scan3A_780 : i32
        %get3A_783 = arith.index_cast %add3A_782 : i32 to index
        %get3A_784 = arith.constant 0 : index
        %get3A_785 = tpu.vector_load %arg6[%get3A_783, %get3A_784] {strides = array<i32>} : memref<204x128xf32, #tpu.memory_space<vmem>>, vector<1x16xf32>,
        %get3A_786 = vector.shape_cast %get3A_785 : vector<1x16xf32> to vector<16xf32>
        %add3A_787 = arith.addf %add3A_757, %get3A_786 : vector<16xf32>
        %add3A_788 = arith.constant 0 : i32
        %add3A_789 = arith.addi %add3A_788, %scan3A_780 : i32
        %get3A_790 = arith.index_cast %add3A_789 : i32 to index
        %get3A_791 = arith.constant 16 : index
        %get3A_792 = tpu.vector_load %arg6[%get3A_790, %get3A_791] {strides = array<i32>} : memref<204x128xf32, #tpu.memory_space<vmem>>, vector<1x16xf32>,
        %get3A_793 = vector.shape_cast %get3A_792 : vector<1x16xf32> to vector<16xf32>
        %add3A_794 = arith.addf %add3A_764, %get3A_793 : vector<16xf32>
        %add3A_795 = arith.constant 0 : i32
        %add3A_796 = arith.addi %add3A_795, %scan3A_780 : i32
        %get3A_797 = arith.index_cast %add3A_796 : i32 to index
        %get3A_798 = arith.constant 32 : index
        %get3A_799 = tpu.vector_load %arg6[%get3A_797, %get3A_798] {strides = array<i32>} : memref<204x128xf32, #tpu.memory_space<vmem>>, vector<1x16xf32>,
        %get3A_800 = vector.shape_cast %get3A_799 : vector<1x16xf32> to vector<16xf32>
        %add3A_801 = arith.addf %add3A_771, %get3A_800 : vector<16xf32>
        %add3A_802 = arith.constant 0 : i32
        %add3A_803 = arith.addi %add3A_802, %scan3A_780 : i32
        %get3A_804 = arith.index_cast %add3A_803 : i32 to index
        %get3A_805 = arith.constant 48 : index
        %get3A_806 = tpu.vector_load %arg6[%get3A_804, %get3A_805] {strides = array<i32>} : memref<204x128xf32, #tpu.memory_space<vmem>>, vector<1x16xf32>,
        %get3A_807 = vector.shape_cast %get3A_806 : vector<1x16xf32> to vector<16xf32>
        %add3A_808 = arith.addf %add3A_778, %get3A_807 : vector<16xf32>
        %scan3A_809 = arith.constant 4 : i32
        %scan3A_810 = arith.addi %scan3A_686, %scan3A_809 : i32
        %add3A_811 = arith.constant 0 : i32
        %add3A_812 = arith.addi %add3A_811, %scan3A_810 : i32
        %get3A_813 = arith.index_cast %add3A_812 : i32 to index
        %get3A_814 = arith.constant 0 : index
        %get3A_815 = tpu.vector_load %arg6[%get3A_813, %get3A_814] {strides = array<i32>} : memref<204x128xf32, #tpu.memory_space<vmem>>, vector<1x16xf32>,
        %get3A_816 = vector.shape_cast %get3A_815 : vector<1x16xf32> to vector<16xf32>
        %add3A_817 = arith.addf %add3A_787, %get3A_816 : vector<16xf32>
        %add3A_818 = arith.constant 0 : i32
        %add3A_819 = arith.addi %add3A_818, %scan3A_810 : i32
        %get3A_820 = arith.index_cast %add3A_819 : i32 to index
        %get3A_821 = arith.constant 16 : index
        %get3A_822 = tpu.vector_load %arg6[%get3A_820, %get3A_821] {strides = array<i32>} : memref<204x128xf32, #tpu.memory_space<vmem>>, vector<1x16xf32>,
        %get3A_823 = vector.shape_cast %get3A_822 : vector<1x16xf32> to vector<16xf32>
        %add3A_824 = arith.addf %add3A_794, %get3A_823 : vector<16xf32>
        %add3A_825 = arith.constant 0 : i32
        %add3A_826 = arith.addi %add3A_825, %scan3A_810 : i32
        %get3A_827 = arith.index_cast %add3A_826 : i32 to index
        %get3A_828 = arith.constant 32 : index
        %get3A_829 = tpu.vector_load %arg6[%get3A_827, %get3A_828] {strides = array<i32>} : memref<204x128xf32, #tpu.memory_space<vmem>>, vector<1x16xf32>,
        %get3A_830 = vector.shape_cast %get3A_829 : vector<1x16xf32> to vector<16xf32>
        %add3A_831 = arith.addf %add3A_801, %get3A_830 : vector<16xf32>
        %add3A_832 = arith.constant 0 : i32
        %add3A_833 = arith.addi %add3A_832, %scan3A_810 : i32
        %get3A_834 = arith.index_cast %add3A_833 : i32 to index
        %get3A_835 = arith.constant 48 : index
        %get3A_836 = tpu.vector_load %arg6[%get3A_834, %get3A_835] {strides = array<i32>} : memref<204x128xf32, #tpu.memory_space<vmem>>, vector<1x16xf32>,
        %get3A_837 = vector.shape_cast %get3A_836 : vector<1x16xf32> to vector<16xf32>
        %add3A_838 = arith.addf %add3A_808, %get3A_837 : vector<16xf32>
        %scan3A_839 = arith.constant 5 : i32
        %scan3A_840 = arith.addi %scan3A_686, %scan3A_839 : i32
        %add3A_841 = arith.constant 0 : i32
        %add3A_842 = arith.addi %add3A_841, %scan3A_840 : i32
        %get3A_843 = arith.index_cast %add3A_842 : i32 to index
        %get3A_844 = arith.constant 0 : index
        %get3A_845 = tpu.vector_load %arg6[%get3A_843, %get3A_844] {strides = array<i32>} : memref<204x128xf32, #tpu.memory_space<vmem>>, vector<1x16xf32>,
        %get3A_846 = vector.shape_cast %get3A_845 : vector<1x16xf32> to vector<16xf32>
        %add3A_847 = arith.addf %add3A_817, %get3A_846 : vector<16xf32>
        %add3A_848 = arith.constant 0 : i32
        %add3A_849 = arith.addi %add3A_848, %scan3A_840 : i32
        %get3A_850 = arith.index_cast %add3A_849 : i32 to index
        %get3A_851 = arith.constant 16 : index
        %get3A_852 = tpu.vector_load %arg6[%get3A_850, %get3A_851] {strides = array<i32>} : memref<204x128xf32, #tpu.memory_space<vmem>>, vector<1x16xf32>,
        %get3A_853 = vector.shape_cast %get3A_852 : vector<1x16xf32> to vector<16xf32>
        %add3A_854 = arith.addf %add3A_824, %get3A_853 : vector<16xf32>
        %add3A_855 = arith.constant 0 : i32
        %add3A_856 = arith.addi %add3A_855, %scan3A_840 : i32
        %get3A_857 = arith.index_cast %add3A_856 : i32 to index
        %get3A_858 = arith.constant 32 : index
        %get3A_859 = tpu.vector_load %arg6[%get3A_857, %get3A_858] {strides = array<i32>} : memref<204x128xf32, #tpu.memory_space<vmem>>, vector<1x16xf32>,
        %get3A_860 = vector.shape_cast %get3A_859 : vector<1x16xf32> to vector<16xf32>
        %add3A_861 = arith.addf %add3A_831, %get3A_860 : vector<16xf32>
        %add3A_862 = arith.constant 0 : i32
        %add3A_863 = arith.addi %add3A_862, %scan3A_840 : i32
        %get3A_864 = arith.index_cast %add3A_863 : i32 to index
        %get3A_865 = arith.constant 48 : index
        %get3A_866 = tpu.vector_load %arg6[%get3A_864, %get3A_865] {strides = array<i32>} : memref<204x128xf32, #tpu.memory_space<vmem>>, vector<1x16xf32>,
        %get3A_867 = vector.shape_cast %get3A_866 : vector<1x16xf32> to vector<16xf32>
        %add3A_868 = arith.addf %add3A_838, %get3A_867 : vector<16xf32>
        %scan3A_869 = arith.constant 6 : i32
        %scan3A_870 = arith.addi %scan3A_686, %scan3A_869 : i32
        %add3A_871 = arith.constant 0 : i32
        %add3A_872 = arith.addi %add3A_871, %scan3A_870 : i32
        %get3A_873 = arith.index_cast %add3A_872 : i32 to index
        %get3A_874 = arith.constant 0 : index
        %get3A_875 = tpu.vector_load %arg6[%get3A_873, %get3A_874] {strides = array<i32>} : memref<204x128xf32, #tpu.memory_space<vmem>>, vector<1x16xf32>,
        %get3A_876 = vector.shape_cast %get3A_875 : vector<1x16xf32> to vector<16xf32>
        %add3A_877 = arith.addf %add3A_847, %get3A_876 : vector<16xf32>
        %add3A_878 = arith.constant 0 : i32
        %add3A_879 = arith.addi %add3A_878, %scan3A_870 : i32
        %get3A_880 = arith.index_cast %add3A_879 : i32 to index
        %get3A_881 = arith.constant 16 : index
        %get3A_882 = tpu.vector_load %arg6[%get3A_880, %get3A_881] {strides = array<i32>} : memref<204x128xf32, #tpu.memory_space<vmem>>, vector<1x16xf32>,
        %get3A_883 = vector.shape_cast %get3A_882 : vector<1x16xf32> to vector<16xf32>
        %add3A_884 = arith.addf %add3A_854, %get3A_883 : vector<16xf32>
        %add3A_885 = arith.constant 0 : i32
        %add3A_886 = arith.addi %add3A_885, %scan3A_870 : i32
        %get3A_887 = arith.index_cast %add3A_886 : i32 to index
        %get3A_888 = arith.constant 32 : index
        %get3A_889 = tpu.vector_load %arg6[%get3A_887, %get3A_888] {strides = array<i32>} : memref<204x128xf32, #tpu.memory_space<vmem>>, vector<1x16xf32>,
        %get3A_890 = vector.shape_cast %get3A_889 : vector<1x16xf32> to vector<16xf32>
        %add3A_891 = arith.addf %add3A_861, %get3A_890 : vector<16xf32>
        %add3A_892 = arith.constant 0 : i32
        %add3A_893 = arith.addi %add3A_892, %scan3A_870 : i32
        %get3A_894 = arith.index_cast %add3A_893 : i32 to index
        %get3A_895 = arith.constant 48 : index
        %get3A_896 = tpu.vector_load %arg6[%get3A_894, %get3A_895] {strides = array<i32>} : memref<204x128xf32, #tpu.memory_space<vmem>>, vector<1x16xf32>,
        %get3A_897 = vector.shape_cast %get3A_896 : vector<1x16xf32> to vector<16xf32>
        %add3A_898 = arith.addf %add3A_868, %get3A_897 : vector<16xf32>
        %scan3A_899 = arith.constant 7 : i32
        %scan3A_900 = arith.addi %scan3A_686, %scan3A_899 : i32
        %add3A_901 = arith.constant 0 : i32
        %add3A_902 = arith.addi %add3A_901, %scan3A_900 : i32
        %get3A_903 = arith.index_cast %add3A_902 : i32 to index
        %get3A_904 = arith.constant 0 : index
        %get3A_905 = tpu.vector_load %arg6[%get3A_903, %get3A_904] {strides = array<i32>} : memref<204x128xf32, #tpu.memory_space<vmem>>, vector<1x16xf32>,
        %get3A_906 = vector.shape_cast %get3A_905 : vector<1x16xf32> to vector<16xf32>
        %add3A_907 = arith.addf %add3A_877, %get3A_906 : vector<16xf32>
        %add3A_908 = arith.constant 0 : i32
        %add3A_909 = arith.addi %add3A_908, %scan3A_900 : i32
        %get3A_910 = arith.index_cast %add3A_909 : i32 to index
        %get3A_911 = arith.constant 16 : index
        %get3A_912 = tpu.vector_load %arg6[%get3A_910, %get3A_911] {strides = array<i32>} : memref<204x128xf32, #tpu.memory_space<vmem>>, vector<1x16xf32>,
        %get3A_913 = vector.shape_cast %get3A_912 : vector<1x16xf32> to vector<16xf32>
        %add3A_914 = arith.addf %add3A_884, %get3A_913 : vector<16xf32>
        %add3A_915 = arith.constant 0 : i32
        %add3A_916 = arith.addi %add3A_915, %scan3A_900 : i32
        %get3A_917 = arith.index_cast %add3A_916 : i32 to index
        %get3A_918 = arith.constant 32 : index
        %get3A_919 = tpu.vector_load %arg6[%get3A_917, %get3A_918] {strides = array<i32>} : memref<204x128xf32, #tpu.memory_space<vmem>>, vector<1x16xf32>,
        %get3A_920 = vector.shape_cast %get3A_919 : vector<1x16xf32> to vector<16xf32>
        %add3A_921 = arith.addf %add3A_891, %get3A_920 : vector<16xf32>
        %add3A_922 = arith.constant 0 : i32
        %add3A_923 = arith.addi %add3A_922, %scan3A_900 : i32
        %get3A_924 = arith.index_cast %add3A_923 : i32 to index
        %get3A_925 = arith.constant 48 : index
        %get3A_926 = tpu.vector_load %arg6[%get3A_924, %get3A_925] {strides = array<i32>} : memref<204x128xf32, #tpu.memory_space<vmem>>, vector<1x16xf32>,
        %get3A_927 = vector.shape_cast %get3A_926 : vector<1x16xf32> to vector<16xf32>
        %add3A_928 = arith.addf %add3A_898, %get3A_927 : vector<16xf32>
        scf.yield %add3A_907, %add3A_914, %add3A_921, %add3A_928 : vector<16xf32>, vector<16xf32>, vector<16xf32>, vector<16xf32>
      }
      %scan3A_99 = arith.constant 96 : i32
      %scan3A_100 = arith.addi %scan3A_94, %scan3A_99 : i32
      %add3A_101 = arith.constant 0 : i32
      %add3A_102 = arith.addi %add3A_101, %scan3A_100 : i32
      %get3A = arith.index_cast %add3A_102 : i32 to index
      %get3A_103 = arith.constant 0 : index
      %get3A_104 = tpu.vector_load %arg6[%get3A, %get3A_103] {strides = array<i32>} : memref<204x128xf32, #tpu.memory_space<vmem>>, vector<1x16xf32>,
      %get3A_105 = vector.shape_cast %get3A_104 : vector<1x16xf32> to vector<16xf32>
      %add3A_106 = arith.addf %scan3A_98#0, %get3A_105 : vector<16xf32>
      %add3A_107 = arith.constant 0 : i32
      %add3A_108 = arith.addi %add3A_107, %scan3A_100 : i32
      %get3A_109 = arith.index_cast %add3A_108 : i32 to index
      %get3A_110 = arith.constant 16 : index
      %get3A_111 = tpu.vector_load %arg6[%get3A_109, %get3A_110] {strides = array<i32>} : memref<204x128xf32, #tpu.memory_space<vmem>>, vector<1x16xf32>,
      %get3A_112 = vector.shape_cast %get3A_111 : vector<1x16xf32> to vector<16xf32>
      %add3A_113 = arith.addf %scan3A_98#1, %get3A_112 : vector<16xf32>
      %add3A_114 = arith.constant 0 : i32
      %add3A_115 = arith.addi %add3A_114, %scan3A_100 : i32
      %get3A_116 = arith.index_cast %add3A_115 : i32 to index
      %get3A_117 = arith.constant 32 : index
      %get3A_118 = tpu.vector_load %arg6[%get3A_116, %get3A_117] {strides = array<i32>} : memref<204x128xf32, #tpu.memory_space<vmem>>, vector<1x16xf32>,
      %get3A_119 = vector.shape_cast %get3A_118 : vector<1x16xf32> to vector<16xf32>
      %add3A_120 = arith.addf %scan3A_98#2, %get3A_119 : vector<16xf32>
      %add3A_121 = arith.constant 0 : i32
      %add3A_122 = arith.addi %add3A_121, %scan3A_100 : i32
      %get3A_123 = arith.index_cast %add3A_122 : i32 to index
      %get3A_124 = arith.constant 48 : index
      %get3A_125 = tpu.vector_load %arg6[%get3A_123, %get3A_124] {strides = array<i32>} : memref<204x128xf32, #tpu.memory_space<vmem>>, vector<1x16xf32>,
      %get3A_126 = vector.shape_cast %get3A_125 : vector<1x16xf32> to vector<16xf32>
      %add3A_127 = arith.addf %scan3A_98#3, %get3A_126 : vector<16xf32>
      %scan3A_128 = arith.constant 97 : i32
      %scan3A_129 = arith.addi %scan3A_94, %scan3A_128 : i32
      %add3A_130 = arith.constant 0 : i32
      %add3A_131 = arith.addi %add3A_130, %scan3A_129 : i32
      %get3A_132 = arith.index_cast %add3A_131 : i32 to index
      %get3A_133 = arith.constant 0 : index
      %get3A_134 = tpu.vector_load %arg6[%get3A_132, %get3A_133] {strides = array<i32>} : memref<204x128xf32, #tpu.memory_space<vmem>>, vector<1x16xf32>,
      %get3A_135 = vector.shape_cast %get3A_134 : vector<1x16xf32> to vector<16xf32>
      %add3A_136 = arith.addf %add3A_106, %get3A_135 : vector<16xf32>
      %add3A_137 = arith.constant 0 : i32
      %add3A_138 = arith.addi %add3A_137, %scan3A_129 : i32
      %get3A_139 = arith.index_cast %add3A_138 : i32 to index
      %get3A_140 = arith.constant 16 : index
      %get3A_141 = tpu.vector_load %arg6[%get3A_139, %get3A_140] {strides = array<i32>} : memref<204x128xf32, #tpu.memory_space<vmem>>, vector<1x16xf32>,
      %get3A_142 = vector.shape_cast %get3A_141 : vector<1x16xf32> to vector<16xf32>
      %add3A_143 = arith.addf %add3A_113, %get3A_142 : vector<16xf32>
      %add3A_144 = arith.constant 0 : i32
      %add3A_145 = arith.addi %add3A_144, %scan3A_129 : i32
      %get3A_146 = arith.index_cast %add3A_145 : i32 to index
      %get3A_147 = arith.constant 32 : index
      %get3A_148 = tpu.vector_load %arg6[%get3A_146, %get3A_147] {strides = array<i32>} : memref<204x128xf32, #tpu.memory_space<vmem>>, vector<1x16xf32>,
      %get3A_149 = vector.shape_cast %get3A_148 : vector<1x16xf32> to vector<16xf32>
      %add3A_150 = arith.addf %add3A_120, %get3A_149 : vector<16xf32>
      %add3A_151 = arith.constant 0 : i32
      %add3A_152 = arith.addi %add3A_151, %scan3A_129 : i32
      %get3A_153 = arith.index_cast %add3A_152 : i32 to index
      %get3A_154 = arith.constant 48 : index
      %get3A_155 = tpu.vector_load %arg6[%get3A_153, %get3A_154] {strides = array<i32>} : memref<204x128xf32, #tpu.memory_space<vmem>>, vector<1x16xf32>,
      %get3A_156 = vector.shape_cast %get3A_155 : vector<1x16xf32> to vector<16xf32>
      %add3A_157 = arith.addf %add3A_127, %get3A_156 : vector<16xf32>
      %scan3A_158 = arith.constant 98 : i32
      %scan3A_159 = arith.addi %scan3A_94, %scan3A_158 : i32
      %add3A_160 = arith.constant 0 : i32
      %add3A_161 = arith.addi %add3A_160, %scan3A_159 : i32
      %get3A_162 = arith.index_cast %add3A_161 : i32 to index
      %get3A_163 = arith.constant 0 : index
      %get3A_164 = tpu.vector_load %arg6[%get3A_162, %get3A_163] {strides = array<i32>} : memref<204x128xf32, #tpu.memory_space<vmem>>, vector<1x16xf32>,
      %get3A_165 = vector.shape_cast %get3A_164 : vector<1x16xf32> to vector<16xf32>
      %add3A_166 = arith.addf %add3A_136, %get3A_165 : vector<16xf32>
      %add3A_167 = arith.constant 0 : i32
      %add3A_168 = arith.addi %add3A_167, %scan3A_159 : i32
      %get3A_169 = arith.index_cast %add3A_168 : i32 to index
      %get3A_170 = arith.constant 16 : index
      %get3A_171 = tpu.vector_load %arg6[%get3A_169, %get3A_170] {strides = array<i32>} : memref<204x128xf32, #tpu.memory_space<vmem>>, vector<1x16xf32>,
      %get3A_172 = vector.shape_cast %get3A_171 : vector<1x16xf32> to vector<16xf32>
      %add3A_173 = arith.addf %add3A_143, %get3A_172 : vector<16xf32>
      %add3A_174 = arith.constant 0 : i32
      %add3A_175 = arith.addi %add3A_174, %scan3A_159 : i32
      %get3A_176 = arith.index_cast %add3A_175 : i32 to index
      %get3A_177 = arith.constant 32 : index
      %get3A_178 = tpu.vector_load %arg6[%get3A_176, %get3A_177] {strides = array<i32>} : memref<204x128xf32, #tpu.memory_space<vmem>>, vector<1x16xf32>,
      %get3A_179 = vector.shape_cast %get3A_178 : vector<1x16xf32> to vector<16xf32>
      %add3A_180 = arith.addf %add3A_150, %get3A_179 : vector<16xf32>
      %add3A_181 = arith.constant 0 : i32
      %add3A_182 = arith.addi %add3A_181, %scan3A_159 : i32
      %get3A_183 = arith.index_cast %add3A_182 : i32 to index
      %get3A_184 = arith.constant 48 : index
      %get3A_185 = tpu.vector_load %arg6[%get3A_183, %get3A_184] {strides = array<i32>} : memref<204x128xf32, #tpu.memory_space<vmem>>, vector<1x16xf32>,
      %get3A_186 = vector.shape_cast %get3A_185 : vector<1x16xf32> to vector<16xf32>
      %add3A_187 = arith.addf %add3A_157, %get3A_186 : vector<16xf32>
      %scan3A_188 = arith.constant 99 : i32
      %scan3A_189 = arith.addi %scan3A_94, %scan3A_188 : i32
      %add3A_190 = arith.constant 0 : i32
      %add3A_191 = arith.addi %add3A_190, %scan3A_189 : i32
      %get3A_192 = arith.index_cast %add3A_191 : i32 to index
      %get3A_193 = arith.constant 0 : index
      %get3A_194 = tpu.vector_load %arg6[%get3A_192, %get3A_193] {strides = array<i32>} : memref<204x128xf32, #tpu.memory_space<vmem>>, vector<1x16xf32>,
      %get3A_195 = vector.shape_cast %get3A_194 : vector<1x16xf32> to vector<16xf32>
      %add3A_196 = arith.addf %add3A_166, %get3A_195 : vector<16xf32>
      %add3A_197 = arith.constant 0 : i32
      %add3A_198 = arith.addi %add3A_197, %scan3A_189 : i32
      %get3A_199 = arith.index_cast %add3A_198 : i32 to index
      %get3A_200 = arith.constant 16 : index
      %get3A_201 = tpu.vector_load %arg6[%get3A_199, %get3A_200] {strides = array<i32>} : memref<204x128xf32, #tpu.memory_space<vmem>>, vector<1x16xf32>,
      %get3A_202 = vector.shape_cast %get3A_201 : vector<1x16xf32> to vector<16xf32>
      %add3A_203 = arith.addf %add3A_173, %get3A_202 : vector<16xf32>
      %add3A_204 = arith.constant 0 : i32
      %add3A_205 = arith.addi %add3A_204, %scan3A_189 : i32
      %get3A_206 = arith.index_cast %add3A_205 : i32 to index
      %get3A_207 = arith.constant 32 : index
      %get3A_208 = tpu.vector_load %arg6[%get3A_206, %get3A_207] {strides = array<i32>} : memref<204x128xf32, #tpu.memory_space<vmem>>, vector<1x16xf32>,
      %get3A_209 = vector.shape_cast %get3A_208 : vector<1x16xf32> to vector<16xf32>
      %add3A_210 = arith.addf %add3A_180, %get3A_209 : vector<16xf32>
      %add3A_211 = arith.constant 0 : i32
      %add3A_212 = arith.addi %add3A_211, %scan3A_189 : i32
      %get3A_213 = arith.index_cast %add3A_212 : i32 to index
      %get3A_214 = arith.constant 48 : index
      %get3A_215 = tpu.vector_load %arg6[%get3A_213, %get3A_214] {strides = array<i32>} : memref<204x128xf32, #tpu.memory_space<vmem>>, vector<1x16xf32>,
      %get3A_216 = vector.shape_cast %get3A_215 : vector<1x16xf32> to vector<16xf32>
      %add3A_217 = arith.addf %add3A_187, %get3A_216 : vector<16xf32>
      %scan3A_218 = arith.constant 100 : i32
      %scan3A_219 = arith.constant 0 : i32
      %scan3A_220 = arith.constant 96 : i32
      %scan3A_221 = arith.addi %scan3A_219, %scan3A_220 : i32
      %scan3A_222 = arith.constant 8 : i32
      %scan3A_223:4 = scf.for %scan3A_686 = %scan3A_219 to %scan3A_221 step %scan3A_222 iter_args(%scan3A_687 = %add3A_196, %scan3A_688 = %add3A_203, %scan3A_689 = %add3A_210, %scan3A_690 = %add3A_217) -> (vector<16xf32>, vector<16xf32>, vector<16xf32>, vector<16xf32>)  : i32 {
        %add3A_691 = arith.constant 104 : i32
        %add3A_692 = arith.addi %add3A_691, %scan3A_686 : i32
        %get3A_693 = arith.index_cast %add3A_692 : i32 to index
        %get3A_694 = arith.constant 0 : index
        %get3A_695 = tpu.vector_load %arg6[%get3A_693, %get3A_694] {strides = array<i32>} : memref<204x128xf32, #tpu.memory_space<vmem>>, vector<1x16xf32>,
        %get3A_696 = vector.shape_cast %get3A_695 : vector<1x16xf32> to vector<16xf32>
        %add3A_697 = arith.addf %scan3A_687, %get3A_696 : vector<16xf32>
        %add3A_698 = arith.constant 104 : i32
        %add3A_699 = arith.addi %add3A_698, %scan3A_686 : i32
        %get3A_700 = arith.index_cast %add3A_699 : i32 to index
        %get3A_701 = arith.constant 16 : index
        %get3A_702 = tpu.vector_load %arg6[%get3A_700, %get3A_701] {strides = array<i32>} : memref<204x128xf32, #tpu.memory_space<vmem>>, vector<1x16xf32>,
        %get3A_703 = vector.shape_cast %get3A_702 : vector<1x16xf32> to vector<16xf32>
        %add3A_704 = arith.addf %scan3A_688, %get3A_703 : vector<16xf32>
        %add3A_705 = arith.constant 104 : i32
        %add3A_706 = arith.addi %add3A_705, %scan3A_686 : i32
        %get3A_707 = arith.index_cast %add3A_706 : i32 to index
        %get3A_708 = arith.constant 32 : index
        %get3A_709 = tpu.vector_load %arg6[%get3A_707, %get3A_708] {strides = array<i32>} : memref<204x128xf32, #tpu.memory_space<vmem>>, vector<1x16xf32>,
        %get3A_710 = vector.shape_cast %get3A_709 : vector<1x16xf32> to vector<16xf32>
        %add3A_711 = arith.addf %scan3A_689, %get3A_710 : vector<16xf32>
        %add3A_712 = arith.constant 104 : i32
        %add3A_713 = arith.addi %add3A_712, %scan3A_686 : i32
        %get3A_714 = arith.index_cast %add3A_713 : i32 to index
        %get3A_715 = arith.constant 48 : index
        %get3A_716 = tpu.vector_load %arg6[%get3A_714, %get3A_715] {strides = array<i32>} : memref<204x128xf32, #tpu.memory_space<vmem>>, vector<1x16xf32>,
        %get3A_717 = vector.shape_cast %get3A_716 : vector<1x16xf32> to vector<16xf32>
        %add3A_718 = arith.addf %scan3A_690, %get3A_717 : vector<16xf32>
        %scan3A_719 = arith.constant 1 : i32
        %scan3A_720 = arith.addi %scan3A_686, %scan3A_719 : i32
        %add3A_721 = arith.constant 104 : i32
        %add3A_722 = arith.addi %add3A_721, %scan3A_720 : i32
        %get3A_723 = arith.index_cast %add3A_722 : i32 to index
        %get3A_724 = arith.constant 0 : index
        %get3A_725 = tpu.vector_load %arg6[%get3A_723, %get3A_724] {strides = array<i32>} : memref<204x128xf32, #tpu.memory_space<vmem>>, vector<1x16xf32>,
        %get3A_726 = vector.shape_cast %get3A_725 : vector<1x16xf32> to vector<16xf32>
        %add3A_727 = arith.addf %add3A_697, %get3A_726 : vector<16xf32>
        %add3A_728 = arith.constant 104 : i32
        %add3A_729 = arith.addi %add3A_728, %scan3A_720 : i32
        %get3A_730 = arith.index_cast %add3A_729 : i32 to index
        %get3A_731 = arith.constant 16 : index
        %get3A_732 = tpu.vector_load %arg6[%get3A_730, %get3A_731] {strides = array<i32>} : memref<204x128xf32, #tpu.memory_space<vmem>>, vector<1x16xf32>,
        %get3A_733 = vector.shape_cast %get3A_732 : vector<1x16xf32> to vector<16xf32>
        %add3A_734 = arith.addf %add3A_704, %get3A_733 : vector<16xf32>
        %add3A_735 = arith.constant 104 : i32
        %add3A_736 = arith.addi %add3A_735, %scan3A_720 : i32
        %get3A_737 = arith.index_cast %add3A_736 : i32 to index
        %get3A_738 = arith.constant 32 : index
        %get3A_739 = tpu.vector_load %arg6[%get3A_737, %get3A_738] {strides = array<i32>} : memref<204x128xf32, #tpu.memory_space<vmem>>, vector<1x16xf32>,
        %get3A_740 = vector.shape_cast %get3A_739 : vector<1x16xf32> to vector<16xf32>
        %add3A_741 = arith.addf %add3A_711, %get3A_740 : vector<16xf32>
        %add3A_742 = arith.constant 104 : i32
        %add3A_743 = arith.addi %add3A_742, %scan3A_720 : i32
        %get3A_744 = arith.index_cast %add3A_743 : i32 to index
        %get3A_745 = arith.constant 48 : index
        %get3A_746 = tpu.vector_load %arg6[%get3A_744, %get3A_745] {strides = array<i32>} : memref<204x128xf32, #tpu.memory_space<vmem>>, vector<1x16xf32>,
        %get3A_747 = vector.shape_cast %get3A_746 : vector<1x16xf32> to vector<16xf32>
        %add3A_748 = arith.addf %add3A_718, %get3A_747 : vector<16xf32>
        %scan3A_749 = arith.constant 2 : i32
        %scan3A_750 = arith.addi %scan3A_686, %scan3A_749 : i32
        %add3A_751 = arith.constant 104 : i32
        %add3A_752 = arith.addi %add3A_751, %scan3A_750 : i32
        %get3A_753 = arith.index_cast %add3A_752 : i32 to index
        %get3A_754 = arith.constant 0 : index
        %get3A_755 = tpu.vector_load %arg6[%get3A_753, %get3A_754] {strides = array<i32>} : memref<204x128xf32, #tpu.memory_space<vmem>>, vector<1x16xf32>,
        %get3A_756 = vector.shape_cast %get3A_755 : vector<1x16xf32> to vector<16xf32>
        %add3A_757 = arith.addf %add3A_727, %get3A_756 : vector<16xf32>
        %add3A_758 = arith.constant 104 : i32
        %add3A_759 = arith.addi %add3A_758, %scan3A_750 : i32
        %get3A_760 = arith.index_cast %add3A_759 : i32 to index
        %get3A_761 = arith.constant 16 : index
        %get3A_762 = tpu.vector_load %arg6[%get3A_760, %get3A_761] {strides = array<i32>} : memref<204x128xf32, #tpu.memory_space<vmem>>, vector<1x16xf32>,
        %get3A_763 = vector.shape_cast %get3A_762 : vector<1x16xf32> to vector<16xf32>
        %add3A_764 = arith.addf %add3A_734, %get3A_763 : vector<16xf32>
        %add3A_765 = arith.constant 104 : i32
        %add3A_766 = arith.addi %add3A_765, %scan3A_750 : i32
        %get3A_767 = arith.index_cast %add3A_766 : i32 to index
        %get3A_768 = arith.constant 32 : index
        %get3A_769 = tpu.vector_load %arg6[%get3A_767, %get3A_768] {strides = array<i32>} : memref<204x128xf32, #tpu.memory_space<vmem>>, vector<1x16xf32>,
        %get3A_770 = vector.shape_cast %get3A_769 : vector<1x16xf32> to vector<16xf32>
        %add3A_771 = arith.addf %add3A_741, %get3A_770 : vector<16xf32>
        %add3A_772 = arith.constant 104 : i32
        %add3A_773 = arith.addi %add3A_772, %scan3A_750 : i32
        %get3A_774 = arith.index_cast %add3A_773 : i32 to index
        %get3A_775 = arith.constant 48 : index
        %get3A_776 = tpu.vector_load %arg6[%get3A_774, %get3A_775] {strides = array<i32>} : memref<204x128xf32, #tpu.memory_space<vmem>>, vector<1x16xf32>,
        %get3A_777 = vector.shape_cast %get3A_776 : vector<1x16xf32> to vector<16xf32>
        %add3A_778 = arith.addf %add3A_748, %get3A_777 : vector<16xf32>
        %scan3A_779 = arith.constant 3 : i32
        %scan3A_780 = arith.addi %scan3A_686, %scan3A_779 : i32
        %add3A_781 = arith.constant 104 : i32
        %add3A_782 = arith.addi %add3A_781, %scan3A_780 : i32
        %get3A_783 = arith.index_cast %add3A_782 : i32 to index
        %get3A_784 = arith.constant 0 : index
        %get3A_785 = tpu.vector_load %arg6[%get3A_783, %get3A_784] {strides = array<i32>} : memref<204x128xf32, #tpu.memory_space<vmem>>, vector<1x16xf32>,
        %get3A_786 = vector.shape_cast %get3A_785 : vector<1x16xf32> to vector<16xf32>
        %add3A_787 = arith.addf %add3A_757, %get3A_786 : vector<16xf32>
        %add3A_788 = arith.constant 104 : i32
        %add3A_789 = arith.addi %add3A_788, %scan3A_780 : i32
        %get3A_790 = arith.index_cast %add3A_789 : i32 to index
        %get3A_791 = arith.constant 16 : index
        %get3A_792 = tpu.vector_load %arg6[%get3A_790, %get3A_791] {strides = array<i32>} : memref<204x128xf32, #tpu.memory_space<vmem>>, vector<1x16xf32>,
        %get3A_793 = vector.shape_cast %get3A_792 : vector<1x16xf32> to vector<16xf32>
        %add3A_794 = arith.addf %add3A_764, %get3A_793 : vector<16xf32>
        %add3A_795 = arith.constant 104 : i32
        %add3A_796 = arith.addi %add3A_795, %scan3A_780 : i32
        %get3A_797 = arith.index_cast %add3A_796 : i32 to index
        %get3A_798 = arith.constant 32 : index
        %get3A_799 = tpu.vector_load %arg6[%get3A_797, %get3A_798] {strides = array<i32>} : memref<204x128xf32, #tpu.memory_space<vmem>>, vector<1x16xf32>,
        %get3A_800 = vector.shape_cast %get3A_799 : vector<1x16xf32> to vector<16xf32>
        %add3A_801 = arith.addf %add3A_771, %get3A_800 : vector<16xf32>
        %add3A_802 = arith.constant 104 : i32
        %add3A_803 = arith.addi %add3A_802, %scan3A_780 : i32
        %get3A_804 = arith.index_cast %add3A_803 : i32 to index
        %get3A_805 = arith.constant 48 : index
        %get3A_806 = tpu.vector_load %arg6[%get3A_804, %get3A_805] {strides = array<i32>} : memref<204x128xf32, #tpu.memory_space<vmem>>, vector<1x16xf32>,
        %get3A_807 = vector.shape_cast %get3A_806 : vector<1x16xf32> to vector<16xf32>
        %add3A_808 = arith.addf %add3A_778, %get3A_807 : vector<16xf32>
        %scan3A_809 = arith.constant 4 : i32
        %scan3A_810 = arith.addi %scan3A_686, %scan3A_809 : i32
        %add3A_811 = arith.constant 104 : i32
        %add3A_812 = arith.addi %add3A_811, %scan3A_810 : i32
        %get3A_813 = arith.index_cast %add3A_812 : i32 to index
        %get3A_814 = arith.constant 0 : index
        %get3A_815 = tpu.vector_load %arg6[%get3A_813, %get3A_814] {strides = array<i32>} : memref<204x128xf32, #tpu.memory_space<vmem>>, vector<1x16xf32>,
        %get3A_816 = vector.shape_cast %get3A_815 : vector<1x16xf32> to vector<16xf32>
        %add3A_817 = arith.addf %add3A_787, %get3A_816 : vector<16xf32>
        %add3A_818 = arith.constant 104 : i32
        %add3A_819 = arith.addi %add3A_818, %scan3A_810 : i32
        %get3A_820 = arith.index_cast %add3A_819 : i32 to index
        %get3A_821 = arith.constant 16 : index
        %get3A_822 = tpu.vector_load %arg6[%get3A_820, %get3A_821] {strides = array<i32>} : memref<204x128xf32, #tpu.memory_space<vmem>>, vector<1x16xf32>,
        %get3A_823 = vector.shape_cast %get3A_822 : vector<1x16xf32> to vector<16xf32>
        %add3A_824 = arith.addf %add3A_794, %get3A_823 : vector<16xf32>
        %add3A_825 = arith.constant 104 : i32
        %add3A_826 = arith.addi %add3A_825, %scan3A_810 : i32
        %get3A_827 = arith.index_cast %add3A_826 : i32 to index
        %get3A_828 = arith.constant 32 : index
        %get3A_829 = tpu.vector_load %arg6[%get3A_827, %get3A_828] {strides = array<i32>} : memref<204x128xf32, #tpu.memory_space<vmem>>, vector<1x16xf32>,
        %get3A_830 = vector.shape_cast %get3A_829 : vector<1x16xf32> to vector<16xf32>
        %add3A_831 = arith.addf %add3A_801, %get3A_830 : vector<16xf32>
        %add3A_832 = arith.constant 104 : i32
        %add3A_833 = arith.addi %add3A_832, %scan3A_810 : i32
        %get3A_834 = arith.index_cast %add3A_833 : i32 to index
        %get3A_835 = arith.constant 48 : index
        %get3A_836 = tpu.vector_load %arg6[%get3A_834, %get3A_835] {strides = array<i32>} : memref<204x128xf32, #tpu.memory_space<vmem>>, vector<1x16xf32>,
        %get3A_837 = vector.shape_cast %get3A_836 : vector<1x16xf32> to vector<16xf32>
        %add3A_838 = arith.addf %add3A_808, %get3A_837 : vector<16xf32>
        %scan3A_839 = arith.constant 5 : i32
        %scan3A_840 = arith.addi %scan3A_686, %scan3A_839 : i32
        %add3A_841 = arith.constant 104 : i32
        %add3A_842 = arith.addi %add3A_841, %scan3A_840 : i32
        %get3A_843 = arith.index_cast %add3A_842 : i32 to index
        %get3A_844 = arith.constant 0 : index
        %get3A_845 = tpu.vector_load %arg6[%get3A_843, %get3A_844] {strides = array<i32>} : memref<204x128xf32, #tpu.memory_space<vmem>>, vector<1x16xf32>,
        %get3A_846 = vector.shape_cast %get3A_845 : vector<1x16xf32> to vector<16xf32>
        %add3A_847 = arith.addf %add3A_817, %get3A_846 : vector<16xf32>
        %add3A_848 = arith.constant 104 : i32
        %add3A_849 = arith.addi %add3A_848, %scan3A_840 : i32
        %get3A_850 = arith.index_cast %add3A_849 : i32 to index
        %get3A_851 = arith.constant 16 : index
        %get3A_852 = tpu.vector_load %arg6[%get3A_850, %get3A_851] {strides = array<i32>} : memref<204x128xf32, #tpu.memory_space<vmem>>, vector<1x16xf32>,
        %get3A_853 = vector.shape_cast %get3A_852 : vector<1x16xf32> to vector<16xf32>
        %add3A_854 = arith.addf %add3A_824, %get3A_853 : vector<16xf32>
        %add3A_855 = arith.constant 104 : i32
        %add3A_856 = arith.addi %add3A_855, %scan3A_840 : i32
        %get3A_857 = arith.index_cast %add3A_856 : i32 to index
        %get3A_858 = arith.constant 32 : index
        %get3A_859 = tpu.vector_load %arg6[%get3A_857, %get3A_858] {strides = array<i32>} : memref<204x128xf32, #tpu.memory_space<vmem>>, vector<1x16xf32>,
        %get3A_860 = vector.shape_cast %get3A_859 : vector<1x16xf32> to vector<16xf32>
        %add3A_861 = arith.addf %add3A_831, %get3A_860 : vector<16xf32>
        %add3A_862 = arith.constant 104 : i32
        %add3A_863 = arith.addi %add3A_862, %scan3A_840 : i32
        %get3A_864 = arith.index_cast %add3A_863 : i32 to index
        %get3A_865 = arith.constant 48 : index
        %get3A_866 = tpu.vector_load %arg6[%get3A_864, %get3A_865] {strides = array<i32>} : memref<204x128xf32, #tpu.memory_space<vmem>>, vector<1x16xf32>,
        %get3A_867 = vector.shape_cast %get3A_866 : vector<1x16xf32> to vector<16xf32>
        %add3A_868 = arith.addf %add3A_838, %get3A_867 : vector<16xf32>
        %scan3A_869 = arith.constant 6 : i32
        %scan3A_870 = arith.addi %scan3A_686, %scan3A_869 : i32
        %add3A_871 = arith.constant 104 : i32
        %add3A_872 = arith.addi %add3A_871, %scan3A_870 : i32
        %get3A_873 = arith.index_cast %add3A_872 : i32 to index
        %get3A_874 = arith.constant 0 : index
        %get3A_875 = tpu.vector_load %arg6[%get3A_873, %get3A_874] {strides = array<i32>} : memref<204x128xf32, #tpu.memory_space<vmem>>, vector<1x16xf32>,
        %get3A_876 = vector.shape_cast %get3A_875 : vector<1x16xf32> to vector<16xf32>
        %add3A_877 = arith.addf %add3A_847, %get3A_876 : vector<16xf32>
        %add3A_878 = arith.constant 104 : i32
        %add3A_879 = arith.addi %add3A_878, %scan3A_870 : i32
        %get3A_880 = arith.index_cast %add3A_879 : i32 to index
        %get3A_881 = arith.constant 16 : index
        %get3A_882 = tpu.vector_load %arg6[%get3A_880, %get3A_881] {strides = array<i32>} : memref<204x128xf32, #tpu.memory_space<vmem>>, vector<1x16xf32>,
        %get3A_883 = vector.shape_cast %get3A_882 : vector<1x16xf32> to vector<16xf32>
        %add3A_884 = arith.addf %add3A_854, %get3A_883 : vector<16xf32>
        %add3A_885 = arith.constant 104 : i32
        %add3A_886 = arith.addi %add3A_885, %scan3A_870 : i32
        %get3A_887 = arith.index_cast %add3A_886 : i32 to index
        %get3A_888 = arith.constant 32 : index
        %get3A_889 = tpu.vector_load %arg6[%get3A_887, %get3A_888] {strides = array<i32>} : memref<204x128xf32, #tpu.memory_space<vmem>>, vector<1x16xf32>,
        %get3A_890 = vector.shape_cast %get3A_889 : vector<1x16xf32> to vector<16xf32>
        %add3A_891 = arith.addf %add3A_861, %get3A_890 : vector<16xf32>
        %add3A_892 = arith.constant 104 : i32
        %add3A_893 = arith.addi %add3A_892, %scan3A_870 : i32
        %get3A_894 = arith.index_cast %add3A_893 : i32 to index
        %get3A_895 = arith.constant 48 : index
        %get3A_896 = tpu.vector_load %arg6[%get3A_894, %get3A_895] {strides = array<i32>} : memref<204x128xf32, #tpu.memory_space<vmem>>, vector<1x16xf32>,
        %get3A_897 = vector.shape_cast %get3A_896 : vector<1x16xf32> to vector<16xf32>
        %add3A_898 = arith.addf %add3A_868, %get3A_897 : vector<16xf32>
        %scan3A_899 = arith.constant 7 : i32
        %scan3A_900 = arith.addi %scan3A_686, %scan3A_899 : i32
        %add3A_901 = arith.constant 104 : i32
        %add3A_902 = arith.addi %add3A_901, %scan3A_900 : i32
        %get3A_903 = arith.index_cast %add3A_902 : i32 to index
        %get3A_904 = arith.constant 0 : index
        %get3A_905 = tpu.vector_load %arg6[%get3A_903, %get3A_904] {strides = array<i32>} : memref<204x128xf32, #tpu.memory_space<vmem>>, vector<1x16xf32>,
        %get3A_906 = vector.shape_cast %get3A_905 : vector<1x16xf32> to vector<16xf32>
        %add3A_907 = arith.addf %add3A_877, %get3A_906 : vector<16xf32>
        %add3A_908 = arith.constant 104 : i32
        %add3A_909 = arith.addi %add3A_908, %scan3A_900 : i32
        %get3A_910 = arith.index_cast %add3A_909 : i32 to index
        %get3A_911 = arith.constant 16 : index
        %get3A_912 = tpu.vector_load %arg6[%get3A_910, %get3A_911] {strides = array<i32>} : memref<204x128xf32, #tpu.memory_space<vmem>>, vector<1x16xf32>,
        %get3A_913 = vector.shape_cast %get3A_912 : vector<1x16xf32> to vector<16xf32>
        %add3A_914 = arith.addf %add3A_884, %get3A_913 : vector<16xf32>
        %add3A_915 = arith.constant 104 : i32
        %add3A_916 = arith.addi %add3A_915, %scan3A_900 : i32
        %get3A_917 = arith.index_cast %add3A_916 : i32 to index
        %get3A_918 = arith.constant 32 : index
        %get3A_919 = tpu.vector_load %arg6[%get3A_917, %get3A_918] {strides = array<i32>} : memref<204x128xf32, #tpu.memory_space<vmem>>, vector<1x16xf32>,
        %get3A_920 = vector.shape_cast %get3A_919 : vector<1x16xf32> to vector<16xf32>
        %add3A_921 = arith.addf %add3A_891, %get3A_920 : vector<16xf32>
        %add3A_922 = arith.constant 104 : i32
        %add3A_923 = arith.addi %add3A_922, %scan3A_900 : i32
        %get3A_924 = arith.index_cast %add3A_923 : i32 to index
        %get3A_925 = arith.constant 48 : index
        %get3A_926 = tpu.vector_load %arg6[%get3A_924, %get3A_925] {strides = array<i32>} : memref<204x128xf32, #tpu.memory_space<vmem>>, vector<1x16xf32>,
        %get3A_927 = vector.shape_cast %get3A_926 : vector<1x16xf32> to vector<16xf32>
        %add3A_928 = arith.addf %add3A_898, %get3A_927 : vector<16xf32>
        scf.yield %add3A_907, %add3A_914, %add3A_921, %add3A_928 : vector<16xf32>, vector<16xf32>, vector<16xf32>, vector<16xf32>
      }
      %scan3A_224 = arith.constant 96 : i32
      %scan3A_225 = arith.addi %scan3A_219, %scan3A_224 : i32
      %add3A_226 = arith.constant 104 : i32
      %add3A_227 = arith.addi %add3A_226, %scan3A_225 : i32
      %get3A_228 = arith.index_cast %add3A_227 : i32 to index
      %get3A_229 = arith.constant 0 : index
      %get3A_230 = tpu.vector_load %arg6[%get3A_228, %get3A_229] {strides = array<i32>} : memref<204x128xf32, #tpu.memory_space<vmem>>, vector<1x16xf32>,
      %get3A_231 = vector.shape_cast %get3A_230 : vector<1x16xf32> to vector<16xf32>
      %add3A_232 = arith.addf %scan3A_223#0, %get3A_231 : vector<16xf32>
      %add3A_233 = arith.constant 104 : i32
      %add3A_234 = arith.addi %add3A_233, %scan3A_225 : i32
      %get3A_235 = arith.index_cast %add3A_234 : i32 to index
      %get3A_236 = arith.constant 16 : index
      %get3A_237 = tpu.vector_load %arg6[%get3A_235, %get3A_236] {strides = array<i32>} : memref<204x128xf32, #tpu.memory_space<vmem>>, vector<1x16xf32>,
      %get3A_238 = vector.shape_cast %get3A_237 : vector<1x16xf32> to vector<16xf32>
      %add3A_239 = arith.addf %scan3A_223#1, %get3A_238 : vector<16xf32>
      %add3A_240 = arith.constant 104 : i32
      %add3A_241 = arith.addi %add3A_240, %scan3A_225 : i32
      %get3A_242 = arith.index_cast %add3A_241 : i32 to index
      %get3A_243 = arith.constant 32 : index
      %get3A_244 = tpu.vector_load %arg6[%get3A_242, %get3A_243] {strides = array<i32>} : memref<204x128xf32, #tpu.memory_space<vmem>>, vector<1x16xf32>,
      %get3A_245 = vector.shape_cast %get3A_244 : vector<1x16xf32> to vector<16xf32>
      %add3A_246 = arith.addf %scan3A_223#2, %get3A_245 : vector<16xf32>
      %add3A_247 = arith.constant 104 : i32
      %add3A_248 = arith.addi %add3A_247, %scan3A_225 : i32
      %get3A_249 = arith.index_cast %add3A_248 : i32 to index
      %get3A_250 = arith.constant 48 : index
      %get3A_251 = tpu.vector_load %arg6[%get3A_249, %get3A_250] {strides = array<i32>} : memref<204x128xf32, #tpu.memory_space<vmem>>, vector<1x16xf32>,
      %get3A_252 = vector.shape_cast %get3A_251 : vector<1x16xf32> to vector<16xf32>
      %add3A_253 = arith.addf %scan3A_223#3, %get3A_252 : vector<16xf32>
      %scan3A_254 = arith.constant 97 : i32
      %scan3A_255 = arith.addi %scan3A_219, %scan3A_254 : i32
      %add3A_256 = arith.constant 104 : i32
      %add3A_257 = arith.addi %add3A_256, %scan3A_255 : i32
      %get3A_258 = arith.index_cast %add3A_257 : i32 to index
      %get3A_259 = arith.constant 0 : index
      %get3A_260 = tpu.vector_load %arg6[%get3A_258, %get3A_259] {strides = array<i32>} : memref<204x128xf32, #tpu.memory_space<vmem>>, vector<1x16xf32>,
      %get3A_261 = vector.shape_cast %get3A_260 : vector<1x16xf32> to vector<16xf32>
      %add3A_262 = arith.addf %add3A_232, %get3A_261 : vector<16xf32>
      %add3A_263 = arith.constant 104 : i32
      %add3A_264 = arith.addi %add3A_263, %scan3A_255 : i32
      %get3A_265 = arith.index_cast %add3A_264 : i32 to index
      %get3A_266 = arith.constant 16 : index
      %get3A_267 = tpu.vector_load %arg6[%get3A_265, %get3A_266] {strides = array<i32>} : memref<204x128xf32, #tpu.memory_space<vmem>>, vector<1x16xf32>,
      %get3A_268 = vector.shape_cast %get3A_267 : vector<1x16xf32> to vector<16xf32>
      %add3A_269 = arith.addf %add3A_239, %get3A_268 : vector<16xf32>
      %add3A_270 = arith.constant 104 : i32
      %add3A_271 = arith.addi %add3A_270, %scan3A_255 : i32
      %get3A_272 = arith.index_cast %add3A_271 : i32 to index
      %get3A_273 = arith.constant 32 : index
      %get3A_274 = tpu.vector_load %arg6[%get3A_272, %get3A_273] {strides = array<i32>} : memref<204x128xf32, #tpu.memory_space<vmem>>, vector<1x16xf32>,
      %get3A_275 = vector.shape_cast %get3A_274 : vector<1x16xf32> to vector<16xf32>
      %add3A_276 = arith.addf %add3A_246, %get3A_275 : vector<16xf32>
      %add3A_277 = arith.constant 104 : i32
      %add3A_278 = arith.addi %add3A_277, %scan3A_255 : i32
      %get3A_279 = arith.index_cast %add3A_278 : i32 to index
      %get3A_280 = arith.constant 48 : index
      %get3A_281 = tpu.vector_load %arg6[%get3A_279, %get3A_280] {strides = array<i32>} : memref<204x128xf32, #tpu.memory_space<vmem>>, vector<1x16xf32>,
      %get3A_282 = vector.shape_cast %get3A_281 : vector<1x16xf32> to vector<16xf32>
      %add3A_283 = arith.addf %add3A_253, %get3A_282 : vector<16xf32>
      %scan3A_284 = arith.constant 98 : i32
      %scan3A_285 = arith.addi %scan3A_219, %scan3A_284 : i32
      %add3A_286 = arith.constant 104 : i32
      %add3A_287 = arith.addi %add3A_286, %scan3A_285 : i32
      %get3A_288 = arith.index_cast %add3A_287 : i32 to index
      %get3A_289 = arith.constant 0 : index
      %get3A_290 = tpu.vector_load %arg6[%get3A_288, %get3A_289] {strides = array<i32>} : memref<204x128xf32, #tpu.memory_space<vmem>>, vector<1x16xf32>,
      %get3A_291 = vector.shape_cast %get3A_290 : vector<1x16xf32> to vector<16xf32>
      %add3A_292 = arith.addf %add3A_262, %get3A_291 : vector<16xf32>
      %add3A_293 = arith.constant 104 : i32
      %add3A_294 = arith.addi %add3A_293, %scan3A_285 : i32
      %get3A_295 = arith.index_cast %add3A_294 : i32 to index
      %get3A_296 = arith.constant 16 : index
      %get3A_297 = tpu.vector_load %arg6[%get3A_295, %get3A_296] {strides = array<i32>} : memref<204x128xf32, #tpu.memory_space<vmem>>, vector<1x16xf32>,
      %get3A_298 = vector.shape_cast %get3A_297 : vector<1x16xf32> to vector<16xf32>
      %add3A_299 = arith.addf %add3A_269, %get3A_298 : vector<16xf32>
      %add3A_300 = arith.constant 104 : i32
      %add3A_301 = arith.addi %add3A_300, %scan3A_285 : i32
      %get3A_302 = arith.index_cast %add3A_301 : i32 to index
      %get3A_303 = arith.constant 32 : index
      %get3A_304 = tpu.vector_load %arg6[%get3A_302, %get3A_303] {strides = array<i32>} : memref<204x128xf32, #tpu.memory_space<vmem>>, vector<1x16xf32>,
      %get3A_305 = vector.shape_cast %get3A_304 : vector<1x16xf32> to vector<16xf32>
      %add3A_306 = arith.addf %add3A_276, %get3A_305 : vector<16xf32>
      %add3A_307 = arith.constant 104 : i32
      %add3A_308 = arith.addi %add3A_307, %scan3A_285 : i32
      %get3A_309 = arith.index_cast %add3A_308 : i32 to index
      %get3A_310 = arith.constant 48 : index
      %get3A_311 = tpu.vector_load %arg6[%get3A_309, %get3A_310] {strides = array<i32>} : memref<204x128xf32, #tpu.memory_space<vmem>>, vector<1x16xf32>,
      %get3A_312 = vector.shape_cast %get3A_311 : vector<1x16xf32> to vector<16xf32>
      %add3A_313 = arith.addf %add3A_283, %get3A_312 : vector<16xf32>
      %scan3A_314 = arith.constant 99 : i32
      %scan3A_315 = arith.addi %scan3A_219, %scan3A_314 : i32
      %add3A_316 = arith.constant 104 : i32
      %add3A_317 = arith.addi %add3A_316, %scan3A_315 : i32
      %get3A_318 = arith.index_cast %add3A_317 : i32 to index
      %get3A_319 = arith.constant 0 : index
      %get3A_320 = tpu.vector_load %arg6[%get3A_318, %get3A_319] {strides = array<i32>} : memref<204x128xf32, #tpu.memory_space<vmem>>, vector<1x16xf32>,
      %get3A_321 = vector.shape_cast %get3A_320 : vector<1x16xf32> to vector<16xf32>
      %add3A_322 = arith.addf %add3A_292, %get3A_321 : vector<16xf32>
      %add3A_323 = arith.constant 104 : i32
      %add3A_324 = arith.addi %add3A_323, %scan3A_315 : i32
      %get3A_325 = arith.index_cast %add3A_324 : i32 to index
      %get3A_326 = arith.constant 16 : index
      %get3A_327 = tpu.vector_load %arg6[%get3A_325, %get3A_326] {strides = array<i32>} : memref<204x128xf32, #tpu.memory_space<vmem>>, vector<1x16xf32>,
      %get3A_328 = vector.shape_cast %get3A_327 : vector<1x16xf32> to vector<16xf32>
      %add3A_329 = arith.addf %add3A_299, %get3A_328 : vector<16xf32>
      %add3A_330 = arith.constant 104 : i32
      %add3A_331 = arith.addi %add3A_330, %scan3A_315 : i32
      %get3A_332 = arith.index_cast %add3A_331 : i32 to index
      %get3A_333 = arith.constant 32 : index
      %get3A_334 = tpu.vector_load %arg6[%get3A_332, %get3A_333] {strides = array<i32>} : memref<204x128xf32, #tpu.memory_space<vmem>>, vector<1x16xf32>,
      %get3A_335 = vector.shape_cast %get3A_334 : vector<1x16xf32> to vector<16xf32>
      %add3A_336 = arith.addf %add3A_306, %get3A_335 : vector<16xf32>
      %add3A_337 = arith.constant 104 : i32
      %add3A_338 = arith.addi %add3A_337, %scan3A_315 : i32
      %get3A_339 = arith.index_cast %add3A_338 : i32 to index
      %get3A_340 = arith.constant 48 : index
      %get3A_341 = tpu.vector_load %arg6[%get3A_339, %get3A_340] {strides = array<i32>} : memref<204x128xf32, #tpu.memory_space<vmem>>, vector<1x16xf32>,
      %get3A_342 = vector.shape_cast %get3A_341 : vector<1x16xf32> to vector<16xf32>
      %add3A_343 = arith.addf %add3A_313, %get3A_342 : vector<16xf32>
      %scan3A_344 = arith.constant 100 : i32
      %mul3A_345 = arith.mulf %add3A_322, %broadcast_in_dim3A_5 : vector<16xf32>
      %swap3A = arith.index_cast %mul3A_32 : i32 to index
      %swap3A_346 = arith.constant 0 : index
      %swap3A_347 = tpu.vector_load %arg8[%swap3A, %swap3A_346] {strides = array<i32>} : memref<128x64xf32, #tpu.memory_space<vmem>>, vector<1x16xf32>,
      %swap3A_348 = vector.shape_cast %swap3A_347 : vector<1x16xf32> to vector<16xf32>
      %swap3A_349 = vector.shape_cast %mul3A_345 : vector<16xf32> to vector<1x16xf32>
      tpu.vector_store %arg8[%swap3A, %swap3A_346], %swap3A_349 {strides = array<i32>} : memref<128x64xf32, #tpu.memory_space<vmem>>, vector<1x16xf32>,
      %mul3A_350 = arith.mulf %add3A_329, %broadcast_in_dim3A_5 : vector<16xf32>
      %swap3A_351 = arith.index_cast %mul3A_32 : i32 to index
      %swap3A_352 = arith.constant 16 : index
      %swap3A_353 = tpu.vector_load %arg8[%swap3A_351, %swap3A_352] {strides = array<i32>} : memref<128x64xf32, #tpu.memory_space<vmem>>, vector<1x16xf32>,
      %swap3A_354 = vector.shape_cast %swap3A_353 : vector<1x16xf32> to vector<16xf32>
      %swap3A_355 = vector.shape_cast %mul3A_350 : vector<16xf32> to vector<1x16xf32>
      tpu.vector_store %arg8[%swap3A_351, %swap3A_352], %swap3A_355 {strides = array<i32>} : memref<128x64xf32, #tpu.memory_space<vmem>>, vector<1x16xf32>,
      %mul3A_356 = arith.mulf %add3A_336, %broadcast_in_dim3A_5 : vector<16xf32>
      %swap3A_357 = arith.index_cast %mul3A_32 : i32 to index
      %swap3A_358 = arith.constant 32 : index
      %swap3A_359 = tpu.vector_load %arg8[%swap3A_357, %swap3A_358] {strides = array<i32>} : memref<128x64xf32, #tpu.memory_space<vmem>>, vector<1x16xf32>,
      %swap3A_360 = vector.shape_cast %swap3A_359 : vector<1x16xf32> to vector<16xf32>
      %swap3A_361 = vector.shape_cast %mul3A_356 : vector<16xf32> to vector<1x16xf32>
      tpu.vector_store %arg8[%swap3A_357, %swap3A_358], %swap3A_361 {strides = array<i32>} : memref<128x64xf32, #tpu.memory_space<vmem>>, vector<1x16xf32>,
      %mul3A_362 = arith.mulf %add3A_343, %broadcast_in_dim3A_5 : vector<16xf32>
      %swap3A_363 = arith.index_cast %mul3A_32 : i32 to index
      %swap3A_364 = arith.constant 48 : index
      %swap3A_365 = tpu.vector_load %arg8[%swap3A_363, %swap3A_364] {strides = array<i32>} : memref<128x64xf32, #tpu.memory_space<vmem>>, vector<1x16xf32>,
      %swap3A_366 = vector.shape_cast %swap3A_365 : vector<1x16xf32> to vector<16xf32>
      %swap3A_367 = vector.shape_cast %mul3A_362 : vector<16xf32> to vector<1x16xf32>
      tpu.vector_store %arg8[%swap3A_363, %swap3A_364], %swap3A_367 {strides = array<i32>} : memref<128x64xf32, #tpu.memory_space<vmem>>, vector<1x16xf32>,
      %add3A_368 = arith.constant 1 : i32
      %add3A_369 = arith.addi %mul3A_32, %add3A_368 : i32
      %mul3A_370 = arith.constant 2 : i32
      %mul3A_371 = arith.muli %add3A_369, %mul3A_370 : i32
      %add3A_372 = arith.constant 0 : i32
      %add3A_373 = arith.addi %mul3A_371, %add3A_372 : i32
      %mul3A_374 = arith.constant 2 : i32
      %mul3A_375 = arith.muli %add3A_369, %mul3A_374 : i32
      %add3A_376 = arith.constant 1 : i32
      %add3A_377 = arith.addi %mul3A_375, %add3A_376 : i32
      %dma_wait3A_378 = arith.constant 0 : i32
      %dma_wait3A_379 = arith.constant 0 : i32
      %dma_wait3A_380 = tpu.memref_slice %arg7[%dma_wait3A_378, %dma_wait3A_379] : memref<204x128xf32, #tpu.memory_space<vmem>> -> memref<100x128xf32, #tpu.memory_space<vmem>>
      %dma_wait3A_381 = arith.constant 0 : i32
      %dma_wait3A_382 = tpu.memref_slice %arg5[%add3A_373, %dma_wait3A_381] : memref<256x100xi32, #tpu.memory_space<vmem>> -> memref<1x100xi32, #tpu.memory_space<vmem>>
      %dma_wait3A_383 = tpu.memref_squeeze %dma_wait3A_382 : memref<1x100xi32, #tpu.memory_space<vmem>> -> memref<100xi32, #tpu.memory_space<vmem>>
      %dma_wait3A_384 = arith.constant 0 : i32
      %dma_wait3A_385 = arith.constant 0 : i32
      %dma_wait3A_386 = tpu.memref_slice %arg3[%dma_wait3A_384, %dma_wait3A_385] : memref<1000000x128xf32, #tpu.memory_space<hbm>> -> memref<1000000x128xf32, #tpu.memory_space<hbm>>
      tpu.wait_indirect_dma semaphore(%arg10 : memref<!tpu.dma_semaphore, #tpu.memory_space<semaphore_mem>>) src(%dma_wait3A_386 : memref<1000000x128xf32, #tpu.memory_space<hbm>>) dst(%dma_wait3A_380 : memref<100x128xf32, #tpu.memory_space<vmem>>)
      %dma_wait3A_387 = arith.constant 104 : i32
      %dma_wait3A_388 = arith.constant 0 : i32
      %dma_wait3A_389 = tpu.memref_slice %arg7[%dma_wait3A_387, %dma_wait3A_388] : memref<204x128xf32, #tpu.memory_space<vmem>> -> memref<100x128xf32, #tpu.memory_space<vmem>>
      %dma_wait3A_390 = arith.constant 0 : i32
      %dma_wait3A_391 = tpu.memref_slice %arg5[%add3A_377, %dma_wait3A_390] : memref<256x100xi32, #tpu.memory_space<vmem>> -> memref<1x100xi32, #tpu.memory_space<vmem>>
      %dma_wait3A_392 = tpu.memref_squeeze %dma_wait3A_391 : memref<1x100xi32, #tpu.memory_space<vmem>> -> memref<100xi32, #tpu.memory_space<vmem>>
      %dma_wait3A_393 = arith.constant 0 : i32
      %dma_wait3A_394 = arith.constant 0 : i32
      %dma_wait3A_395 = tpu.memref_slice %arg3[%dma_wait3A_393, %dma_wait3A_394] : memref<1000000x128xf32, #tpu.memory_space<hbm>> -> memref<1000000x128xf32, #tpu.memory_space<hbm>>
      tpu.wait_indirect_dma semaphore(%arg10 : memref<!tpu.dma_semaphore, #tpu.memory_space<semaphore_mem>>) src(%dma_wait3A_395 : memref<1000000x128xf32, #tpu.memory_space<hbm>>) dst(%dma_wait3A_389 : memref<100x128xf32, #tpu.memory_space<vmem>>)
      %add3A_396 = arith.constant 2 : i32
      %add3A_397 = arith.addi %mul3A_32, %add3A_396 : i32
      %lt3A = arith.constant 128 : i32
      %lt3A_398 = arith.cmpi slt, %add3A_397, %lt3A : i32
      %convert_element_type3A = arith.extui %lt3A_398 : i1 to i32
      %cond3A = arith.constant 0 : i32
      %cond3A_399 = arith.cmpi ne, %convert_element_type3A, %cond3A : i32
      scf.if %cond3A_399 {
        %add3A_686 = arith.constant 2 : i32
        %add3A_687 = arith.addi %mul3A_32, %add3A_686 : i32
        %mul3A_688 = arith.constant 2 : i32
        %mul3A_689 = arith.muli %add3A_687, %mul3A_688 : i32
        %add3A_690 = arith.constant 0 : i32
        %add3A_691 = arith.addi %mul3A_689, %add3A_690 : i32
        %mul3A_692 = arith.constant 2 : i32
        %mul3A_693 = arith.muli %add3A_687, %mul3A_692 : i32
        %add3A_694 = arith.constant 1 : i32
        %add3A_695 = arith.addi %mul3A_693, %add3A_694 : i32
        %dma_start3A_696 = arith.constant 0 : i32
        %dma_start3A_697 = arith.constant 0 : i32
        %dma_start3A_698 = tpu.memref_slice %arg6[%dma_start3A_696, %dma_start3A_697] : memref<204x128xf32, #tpu.memory_space<vmem>> -> memref<100x128xf32, #tpu.memory_space<vmem>>
        %dma_start3A_699 = arith.constant 0 : i32
        %dma_start3A_700 = tpu.memref_slice %arg5[%add3A_691, %dma_start3A_699] : memref<256x100xi32, #tpu.memory_space<vmem>> -> memref<1x100xi32, #tpu.memory_space<vmem>>
        %dma_start3A_701 = tpu.memref_squeeze %dma_start3A_700 : memref<1x100xi32, #tpu.memory_space<vmem>> -> memref<100xi32, #tpu.memory_space<vmem>>
        %dma_start3A_702 = arith.constant 0 : i32
        %dma_start3A_703 = arith.constant 0 : i32
        %dma_start3A_704 = tpu.memref_slice %arg3[%dma_start3A_702, %dma_start3A_703] : memref<1000000x128xf32, #tpu.memory_space<hbm>> -> memref<1000000x128xf32, #tpu.memory_space<hbm>>
        tpu.enqueue_indirect_dma source(%dma_start3A_704 : memref<1000000x128xf32, #tpu.memory_space<hbm>>) target(%dma_start3A_698 : memref<100x128xf32, #tpu.memory_space<vmem>>) offsets(%dma_start3A_701 : memref<100xi32, #tpu.memory_space<vmem>>) semaphore(%arg9 : memref<!tpu.dma_semaphore, #tpu.memory_space<semaphore_mem>>)
        %dma_start3A_705 = arith.constant 104 : i32
        %dma_start3A_706 = arith.constant 0 : i32
        %dma_start3A_707 = tpu.memref_slice %arg6[%dma_start3A_705, %dma_start3A_706] : memref<204x128xf32, #tpu.memory_space<vmem>> -> memref<100x128xf32, #tpu.memory_space<vmem>>
        %dma_start3A_708 = arith.constant 0 : i32
        %dma_start3A_709 = tpu.memref_slice %arg5[%add3A_695, %dma_start3A_708] : memref<256x100xi32, #tpu.memory_space<vmem>> -> memref<1x100xi32, #tpu.memory_space<vmem>>
        %dma_start3A_710 = tpu.memref_squeeze %dma_start3A_709 : memref<1x100xi32, #tpu.memory_space<vmem>> -> memref<100xi32, #tpu.memory_space<vmem>>
        %dma_start3A_711 = arith.constant 0 : i32
        %dma_start3A_712 = arith.constant 0 : i32
        %dma_start3A_713 = tpu.memref_slice %arg3[%dma_start3A_711, %dma_start3A_712] : memref<1000000x128xf32, #tpu.memory_space<hbm>> -> memref<1000000x128xf32, #tpu.memory_space<hbm>>
        tpu.enqueue_indirect_dma source(%dma_start3A_713 : memref<1000000x128xf32, #tpu.memory_space<hbm>>) target(%dma_start3A_707 : memref<100x128xf32, #tpu.memory_space<vmem>>) offsets(%dma_start3A_710 : memref<100xi32, #tpu.memory_space<vmem>>) semaphore(%arg9 : memref<!tpu.dma_semaphore, #tpu.memory_space<semaphore_mem>>)
      } else {
      }
      %add3A_400 = arith.constant 1 : i32
      %add3A_401 = arith.addi %mul3A_32, %add3A_400 : i32
      %broadcast_in_dim3A_402 = arith.constant 0.000000e+00 : f32
      %broadcast_in_dim3A_403 = vector.broadcast %broadcast_in_dim3A_402 : f32 to vector<16xf32>
      %broadcast_in_dim3A_404 = arith.constant 0.000000e+00 : f32
      %broadcast_in_dim3A_405 = vector.broadcast %broadcast_in_dim3A_404 : f32 to vector<16xf32>
      %broadcast_in_dim3A_406 = arith.constant 0.000000e+00 : f32
      %broadcast_in_dim3A_407 = vector.broadcast %broadcast_in_dim3A_406 : f32 to vector<16xf32>
      %broadcast_in_dim3A_408 = arith.constant 0.000000e+00 : f32
      %broadcast_in_dim3A_409 = vector.broadcast %broadcast_in_dim3A_408 : f32 to vector<16xf32>
      %scan3A_410 = arith.constant 0 : i32
      %scan3A_411 = arith.constant 96 : i32
      %scan3A_412 = arith.addi %scan3A_410, %scan3A_411 : i32
      %scan3A_413 = arith.constant 8 : i32
      %scan3A_414:4 = scf.for %scan3A_686 = %scan3A_410 to %scan3A_412 step %scan3A_413 iter_args(%scan3A_687 = %broadcast_in_dim3A_403, %scan3A_688 = %broadcast_in_dim3A_405, %scan3A_689 = %broadcast_in_dim3A_407, %scan3A_690 = %broadcast_in_dim3A_409) -> (vector<16xf32>, vector<16xf32>, vector<16xf32>, vector<16xf32>)  : i32 {
        %add3A_691 = arith.constant 0 : i32
        %add3A_692 = arith.addi %add3A_691, %scan3A_686 : i32
        %get3A_693 = arith.index_cast %add3A_692 : i32 to index
        %get3A_694 = arith.constant 0 : index
        %get3A_695 = tpu.vector_load %arg7[%get3A_693, %get3A_694] {strides = array<i32>} : memref<204x128xf32, #tpu.memory_space<vmem>>, vector<1x16xf32>,
        %get3A_696 = vector.shape_cast %get3A_695 : vector<1x16xf32> to vector<16xf32>
        %add3A_697 = arith.addf %scan3A_687, %get3A_696 : vector<16xf32>
        %add3A_698 = arith.constant 0 : i32
        %add3A_699 = arith.addi %add3A_698, %scan3A_686 : i32
        %get3A_700 = arith.index_cast %add3A_699 : i32 to index
        %get3A_701 = arith.constant 16 : index
        %get3A_702 = tpu.vector_load %arg7[%get3A_700, %get3A_701] {strides = array<i32>} : memref<204x128xf32, #tpu.memory_space<vmem>>, vector<1x16xf32>,
        %get3A_703 = vector.shape_cast %get3A_702 : vector<1x16xf32> to vector<16xf32>
        %add3A_704 = arith.addf %scan3A_688, %get3A_703 : vector<16xf32>
        %add3A_705 = arith.constant 0 : i32
        %add3A_706 = arith.addi %add3A_705, %scan3A_686 : i32
        %get3A_707 = arith.index_cast %add3A_706 : i32 to index
        %get3A_708 = arith.constant 32 : index
        %get3A_709 = tpu.vector_load %arg7[%get3A_707, %get3A_708] {strides = array<i32>} : memref<204x128xf32, #tpu.memory_space<vmem>>, vector<1x16xf32>,
        %get3A_710 = vector.shape_cast %get3A_709 : vector<1x16xf32> to vector<16xf32>
        %add3A_711 = arith.addf %scan3A_689, %get3A_710 : vector<16xf32>
        %add3A_712 = arith.constant 0 : i32
        %add3A_713 = arith.addi %add3A_712, %scan3A_686 : i32
        %get3A_714 = arith.index_cast %add3A_713 : i32 to index
        %get3A_715 = arith.constant 48 : index
        %get3A_716 = tpu.vector_load %arg7[%get3A_714, %get3A_715] {strides = array<i32>} : memref<204x128xf32, #tpu.memory_space<vmem>>, vector<1x16xf32>,
        %get3A_717 = vector.shape_cast %get3A_716 : vector<1x16xf32> to vector<16xf32>
        %add3A_718 = arith.addf %scan3A_690, %get3A_717 : vector<16xf32>
        %scan3A_719 = arith.constant 1 : i32
        %scan3A_720 = arith.addi %scan3A_686, %scan3A_719 : i32
        %add3A_721 = arith.constant 0 : i32
        %add3A_722 = arith.addi %add3A_721, %scan3A_720 : i32
        %get3A_723 = arith.index_cast %add3A_722 : i32 to index
        %get3A_724 = arith.constant 0 : index
        %get3A_725 = tpu.vector_load %arg7[%get3A_723, %get3A_724] {strides = array<i32>} : memref<204x128xf32, #tpu.memory_space<vmem>>, vector<1x16xf32>,
        %get3A_726 = vector.shape_cast %get3A_725 : vector<1x16xf32> to vector<16xf32>
        %add3A_727 = arith.addf %add3A_697, %get3A_726 : vector<16xf32>
        %add3A_728 = arith.constant 0 : i32
        %add3A_729 = arith.addi %add3A_728, %scan3A_720 : i32
        %get3A_730 = arith.index_cast %add3A_729 : i32 to index
        %get3A_731 = arith.constant 16 : index
        %get3A_732 = tpu.vector_load %arg7[%get3A_730, %get3A_731] {strides = array<i32>} : memref<204x128xf32, #tpu.memory_space<vmem>>, vector<1x16xf32>,
        %get3A_733 = vector.shape_cast %get3A_732 : vector<1x16xf32> to vector<16xf32>
        %add3A_734 = arith.addf %add3A_704, %get3A_733 : vector<16xf32>
        %add3A_735 = arith.constant 0 : i32
        %add3A_736 = arith.addi %add3A_735, %scan3A_720 : i32
        %get3A_737 = arith.index_cast %add3A_736 : i32 to index
        %get3A_738 = arith.constant 32 : index
        %get3A_739 = tpu.vector_load %arg7[%get3A_737, %get3A_738] {strides = array<i32>} : memref<204x128xf32, #tpu.memory_space<vmem>>, vector<1x16xf32>,
        %get3A_740 = vector.shape_cast %get3A_739 : vector<1x16xf32> to vector<16xf32>
        %add3A_741 = arith.addf %add3A_711, %get3A_740 : vector<16xf32>
        %add3A_742 = arith.constant 0 : i32
        %add3A_743 = arith.addi %add3A_742, %scan3A_720 : i32
        %get3A_744 = arith.index_cast %add3A_743 : i32 to index
        %get3A_745 = arith.constant 48 : index
        %get3A_746 = tpu.vector_load %arg7[%get3A_744, %get3A_745] {strides = array<i32>} : memref<204x128xf32, #tpu.memory_space<vmem>>, vector<1x16xf32>,
        %get3A_747 = vector.shape_cast %get3A_746 : vector<1x16xf32> to vector<16xf32>
        %add3A_748 = arith.addf %add3A_718, %get3A_747 : vector<16xf32>
        %scan3A_749 = arith.constant 2 : i32
        %scan3A_750 = arith.addi %scan3A_686, %scan3A_749 : i32
        %add3A_751 = arith.constant 0 : i32
        %add3A_752 = arith.addi %add3A_751, %scan3A_750 : i32
        %get3A_753 = arith.index_cast %add3A_752 : i32 to index
        %get3A_754 = arith.constant 0 : index
        %get3A_755 = tpu.vector_load %arg7[%get3A_753, %get3A_754] {strides = array<i32>} : memref<204x128xf32, #tpu.memory_space<vmem>>, vector<1x16xf32>,
        %get3A_756 = vector.shape_cast %get3A_755 : vector<1x16xf32> to vector<16xf32>
        %add3A_757 = arith.addf %add3A_727, %get3A_756 : vector<16xf32>
        %add3A_758 = arith.constant 0 : i32
        %add3A_759 = arith.addi %add3A_758, %scan3A_750 : i32
        %get3A_760 = arith.index_cast %add3A_759 : i32 to index
        %get3A_761 = arith.constant 16 : index
        %get3A_762 = tpu.vector_load %arg7[%get3A_760, %get3A_761] {strides = array<i32>} : memref<204x128xf32, #tpu.memory_space<vmem>>, vector<1x16xf32>,
        %get3A_763 = vector.shape_cast %get3A_762 : vector<1x16xf32> to vector<16xf32>
        %add3A_764 = arith.addf %add3A_734, %get3A_763 : vector<16xf32>
        %add3A_765 = arith.constant 0 : i32
        %add3A_766 = arith.addi %add3A_765, %scan3A_750 : i32
        %get3A_767 = arith.index_cast %add3A_766 : i32 to index
        %get3A_768 = arith.constant 32 : index
        %get3A_769 = tpu.vector_load %arg7[%get3A_767, %get3A_768] {strides = array<i32>} : memref<204x128xf32, #tpu.memory_space<vmem>>, vector<1x16xf32>,
        %get3A_770 = vector.shape_cast %get3A_769 : vector<1x16xf32> to vector<16xf32>
        %add3A_771 = arith.addf %add3A_741, %get3A_770 : vector<16xf32>
        %add3A_772 = arith.constant 0 : i32
        %add3A_773 = arith.addi %add3A_772, %scan3A_750 : i32
        %get3A_774 = arith.index_cast %add3A_773 : i32 to index
        %get3A_775 = arith.constant 48 : index
        %get3A_776 = tpu.vector_load %arg7[%get3A_774, %get3A_775] {strides = array<i32>} : memref<204x128xf32, #tpu.memory_space<vmem>>, vector<1x16xf32>,
        %get3A_777 = vector.shape_cast %get3A_776 : vector<1x16xf32> to vector<16xf32>
        %add3A_778 = arith.addf %add3A_748, %get3A_777 : vector<16xf32>
        %scan3A_779 = arith.constant 3 : i32
        %scan3A_780 = arith.addi %scan3A_686, %scan3A_779 : i32
        %add3A_781 = arith.constant 0 : i32
        %add3A_782 = arith.addi %add3A_781, %scan3A_780 : i32
        %get3A_783 = arith.index_cast %add3A_782 : i32 to index
        %get3A_784 = arith.constant 0 : index
        %get3A_785 = tpu.vector_load %arg7[%get3A_783, %get3A_784] {strides = array<i32>} : memref<204x128xf32, #tpu.memory_space<vmem>>, vector<1x16xf32>,
        %get3A_786 = vector.shape_cast %get3A_785 : vector<1x16xf32> to vector<16xf32>
        %add3A_787 = arith.addf %add3A_757, %get3A_786 : vector<16xf32>
        %add3A_788 = arith.constant 0 : i32
        %add3A_789 = arith.addi %add3A_788, %scan3A_780 : i32
        %get3A_790 = arith.index_cast %add3A_789 : i32 to index
        %get3A_791 = arith.constant 16 : index
        %get3A_792 = tpu.vector_load %arg7[%get3A_790, %get3A_791] {strides = array<i32>} : memref<204x128xf32, #tpu.memory_space<vmem>>, vector<1x16xf32>,
        %get3A_793 = vector.shape_cast %get3A_792 : vector<1x16xf32> to vector<16xf32>
        %add3A_794 = arith.addf %add3A_764, %get3A_793 : vector<16xf32>
        %add3A_795 = arith.constant 0 : i32
        %add3A_796 = arith.addi %add3A_795, %scan3A_780 : i32
        %get3A_797 = arith.index_cast %add3A_796 : i32 to index
        %get3A_798 = arith.constant 32 : index
        %get3A_799 = tpu.vector_load %arg7[%get3A_797, %get3A_798] {strides = array<i32>} : memref<204x128xf32, #tpu.memory_space<vmem>>, vector<1x16xf32>,
        %get3A_800 = vector.shape_cast %get3A_799 : vector<1x16xf32> to vector<16xf32>
        %add3A_801 = arith.addf %add3A_771, %get3A_800 : vector<16xf32>
        %add3A_802 = arith.constant 0 : i32
        %add3A_803 = arith.addi %add3A_802, %scan3A_780 : i32
        %get3A_804 = arith.index_cast %add3A_803 : i32 to index
        %get3A_805 = arith.constant 48 : index
        %get3A_806 = tpu.vector_load %arg7[%get3A_804, %get3A_805] {strides = array<i32>} : memref<204x128xf32, #tpu.memory_space<vmem>>, vector<1x16xf32>,
        %get3A_807 = vector.shape_cast %get3A_806 : vector<1x16xf32> to vector<16xf32>
        %add3A_808 = arith.addf %add3A_778, %get3A_807 : vector<16xf32>
        %scan3A_809 = arith.constant 4 : i32
        %scan3A_810 = arith.addi %scan3A_686, %scan3A_809 : i32
        %add3A_811 = arith.constant 0 : i32
        %add3A_812 = arith.addi %add3A_811, %scan3A_810 : i32
        %get3A_813 = arith.index_cast %add3A_812 : i32 to index
        %get3A_814 = arith.constant 0 : index
        %get3A_815 = tpu.vector_load %arg7[%get3A_813, %get3A_814] {strides = array<i32>} : memref<204x128xf32, #tpu.memory_space<vmem>>, vector<1x16xf32>,
        %get3A_816 = vector.shape_cast %get3A_815 : vector<1x16xf32> to vector<16xf32>
        %add3A_817 = arith.addf %add3A_787, %get3A_816 : vector<16xf32>
        %add3A_818 = arith.constant 0 : i32
        %add3A_819 = arith.addi %add3A_818, %scan3A_810 : i32
        %get3A_820 = arith.index_cast %add3A_819 : i32 to index
        %get3A_821 = arith.constant 16 : index
        %get3A_822 = tpu.vector_load %arg7[%get3A_820, %get3A_821] {strides = array<i32>} : memref<204x128xf32, #tpu.memory_space<vmem>>, vector<1x16xf32>,
        %get3A_823 = vector.shape_cast %get3A_822 : vector<1x16xf32> to vector<16xf32>
        %add3A_824 = arith.addf %add3A_794, %get3A_823 : vector<16xf32>
        %add3A_825 = arith.constant 0 : i32
        %add3A_826 = arith.addi %add3A_825, %scan3A_810 : i32
        %get3A_827 = arith.index_cast %add3A_826 : i32 to index
        %get3A_828 = arith.constant 32 : index
        %get3A_829 = tpu.vector_load %arg7[%get3A_827, %get3A_828] {strides = array<i32>} : memref<204x128xf32, #tpu.memory_space<vmem>>, vector<1x16xf32>,
        %get3A_830 = vector.shape_cast %get3A_829 : vector<1x16xf32> to vector<16xf32>
        %add3A_831 = arith.addf %add3A_801, %get3A_830 : vector<16xf32>
        %add3A_832 = arith.constant 0 : i32
        %add3A_833 = arith.addi %add3A_832, %scan3A_810 : i32
        %get3A_834 = arith.index_cast %add3A_833 : i32 to index
        %get3A_835 = arith.constant 48 : index
        %get3A_836 = tpu.vector_load %arg7[%get3A_834, %get3A_835] {strides = array<i32>} : memref<204x128xf32, #tpu.memory_space<vmem>>, vector<1x16xf32>,
        %get3A_837 = vector.shape_cast %get3A_836 : vector<1x16xf32> to vector<16xf32>
        %add3A_838 = arith.addf %add3A_808, %get3A_837 : vector<16xf32>
        %scan3A_839 = arith.constant 5 : i32
        %scan3A_840 = arith.addi %scan3A_686, %scan3A_839 : i32
        %add3A_841 = arith.constant 0 : i32
        %add3A_842 = arith.addi %add3A_841, %scan3A_840 : i32
        %get3A_843 = arith.index_cast %add3A_842 : i32 to index
        %get3A_844 = arith.constant 0 : index
        %get3A_845 = tpu.vector_load %arg7[%get3A_843, %get3A_844] {strides = array<i32>} : memref<204x128xf32, #tpu.memory_space<vmem>>, vector<1x16xf32>,
        %get3A_846 = vector.shape_cast %get3A_845 : vector<1x16xf32> to vector<16xf32>
        %add3A_847 = arith.addf %add3A_817, %get3A_846 : vector<16xf32>
        %add3A_848 = arith.constant 0 : i32
        %add3A_849 = arith.addi %add3A_848, %scan3A_840 : i32
        %get3A_850 = arith.index_cast %add3A_849 : i32 to index
        %get3A_851 = arith.constant 16 : index
        %get3A_852 = tpu.vector_load %arg7[%get3A_850, %get3A_851] {strides = array<i32>} : memref<204x128xf32, #tpu.memory_space<vmem>>, vector<1x16xf32>,
        %get3A_853 = vector.shape_cast %get3A_852 : vector<1x16xf32> to vector<16xf32>
        %add3A_854 = arith.addf %add3A_824, %get3A_853 : vector<16xf32>
        %add3A_855 = arith.constant 0 : i32
        %add3A_856 = arith.addi %add3A_855, %scan3A_840 : i32
        %get3A_857 = arith.index_cast %add3A_856 : i32 to index
        %get3A_858 = arith.constant 32 : index
        %get3A_859 = tpu.vector_load %arg7[%get3A_857, %get3A_858] {strides = array<i32>} : memref<204x128xf32, #tpu.memory_space<vmem>>, vector<1x16xf32>,
        %get3A_860 = vector.shape_cast %get3A_859 : vector<1x16xf32> to vector<16xf32>
        %add3A_861 = arith.addf %add3A_831, %get3A_860 : vector<16xf32>
        %add3A_862 = arith.constant 0 : i32
        %add3A_863 = arith.addi %add3A_862, %scan3A_840 : i32
        %get3A_864 = arith.index_cast %add3A_863 : i32 to index
        %get3A_865 = arith.constant 48 : index
        %get3A_866 = tpu.vector_load %arg7[%get3A_864, %get3A_865] {strides = array<i32>} : memref<204x128xf32, #tpu.memory_space<vmem>>, vector<1x16xf32>,
        %get3A_867 = vector.shape_cast %get3A_866 : vector<1x16xf32> to vector<16xf32>
        %add3A_868 = arith.addf %add3A_838, %get3A_867 : vector<16xf32>
        %scan3A_869 = arith.constant 6 : i32
        %scan3A_870 = arith.addi %scan3A_686, %scan3A_869 : i32
        %add3A_871 = arith.constant 0 : i32
        %add3A_872 = arith.addi %add3A_871, %scan3A_870 : i32
        %get3A_873 = arith.index_cast %add3A_872 : i32 to index
        %get3A_874 = arith.constant 0 : index
        %get3A_875 = tpu.vector_load %arg7[%get3A_873, %get3A_874] {strides = array<i32>} : memref<204x128xf32, #tpu.memory_space<vmem>>, vector<1x16xf32>,
        %get3A_876 = vector.shape_cast %get3A_875 : vector<1x16xf32> to vector<16xf32>
        %add3A_877 = arith.addf %add3A_847, %get3A_876 : vector<16xf32>
        %add3A_878 = arith.constant 0 : i32
        %add3A_879 = arith.addi %add3A_878, %scan3A_870 : i32
        %get3A_880 = arith.index_cast %add3A_879 : i32 to index
        %get3A_881 = arith.constant 16 : index
        %get3A_882 = tpu.vector_load %arg7[%get3A_880, %get3A_881] {strides = array<i32>} : memref<204x128xf32, #tpu.memory_space<vmem>>, vector<1x16xf32>,
        %get3A_883 = vector.shape_cast %get3A_882 : vector<1x16xf32> to vector<16xf32>
        %add3A_884 = arith.addf %add3A_854, %get3A_883 : vector<16xf32>
        %add3A_885 = arith.constant 0 : i32
        %add3A_886 = arith.addi %add3A_885, %scan3A_870 : i32
        %get3A_887 = arith.index_cast %add3A_886 : i32 to index
        %get3A_888 = arith.constant 32 : index
        %get3A_889 = tpu.vector_load %arg7[%get3A_887, %get3A_888] {strides = array<i32>} : memref<204x128xf32, #tpu.memory_space<vmem>>, vector<1x16xf32>,
        %get3A_890 = vector.shape_cast %get3A_889 : vector<1x16xf32> to vector<16xf32>
        %add3A_891 = arith.addf %add3A_861, %get3A_890 : vector<16xf32>
        %add3A_892 = arith.constant 0 : i32
        %add3A_893 = arith.addi %add3A_892, %scan3A_870 : i32
        %get3A_894 = arith.index_cast %add3A_893 : i32 to index
        %get3A_895 = arith.constant 48 : index
        %get3A_896 = tpu.vector_load %arg7[%get3A_894, %get3A_895] {strides = array<i32>} : memref<204x128xf32, #tpu.memory_space<vmem>>, vector<1x16xf32>,
        %get3A_897 = vector.shape_cast %get3A_896 : vector<1x16xf32> to vector<16xf32>
        %add3A_898 = arith.addf %add3A_868, %get3A_897 : vector<16xf32>
        %scan3A_899 = arith.constant 7 : i32
        %scan3A_900 = arith.addi %scan3A_686, %scan3A_899 : i32
        %add3A_901 = arith.constant 0 : i32
        %add3A_902 = arith.addi %add3A_901, %scan3A_900 : i32
        %get3A_903 = arith.index_cast %add3A_902 : i32 to index
        %get3A_904 = arith.constant 0 : index
        %get3A_905 = tpu.vector_load %arg7[%get3A_903, %get3A_904] {strides = array<i32>} : memref<204x128xf32, #tpu.memory_space<vmem>>, vector<1x16xf32>,
        %get3A_906 = vector.shape_cast %get3A_905 : vector<1x16xf32> to vector<16xf32>
        %add3A_907 = arith.addf %add3A_877, %get3A_906 : vector<16xf32>
        %add3A_908 = arith.constant 0 : i32
        %add3A_909 = arith.addi %add3A_908, %scan3A_900 : i32
        %get3A_910 = arith.index_cast %add3A_909 : i32 to index
        %get3A_911 = arith.constant 16 : index
        %get3A_912 = tpu.vector_load %arg7[%get3A_910, %get3A_911] {strides = array<i32>} : memref<204x128xf32, #tpu.memory_space<vmem>>, vector<1x16xf32>,
        %get3A_913 = vector.shape_cast %get3A_912 : vector<1x16xf32> to vector<16xf32>
        %add3A_914 = arith.addf %add3A_884, %get3A_913 : vector<16xf32>
        %add3A_915 = arith.constant 0 : i32
        %add3A_916 = arith.addi %add3A_915, %scan3A_900 : i32
        %get3A_917 = arith.index_cast %add3A_916 : i32 to index
        %get3A_918 = arith.constant 32 : index
        %get3A_919 = tpu.vector_load %arg7[%get3A_917, %get3A_918] {strides = array<i32>} : memref<204x128xf32, #tpu.memory_space<vmem>>, vector<1x16xf32>,
        %get3A_920 = vector.shape_cast %get3A_919 : vector<1x16xf32> to vector<16xf32>
        %add3A_921 = arith.addf %add3A_891, %get3A_920 : vector<16xf32>
        %add3A_922 = arith.constant 0 : i32
        %add3A_923 = arith.addi %add3A_922, %scan3A_900 : i32
        %get3A_924 = arith.index_cast %add3A_923 : i32 to index
        %get3A_925 = arith.constant 48 : index
        %get3A_926 = tpu.vector_load %arg7[%get3A_924, %get3A_925] {strides = array<i32>} : memref<204x128xf32, #tpu.memory_space<vmem>>, vector<1x16xf32>,
        %get3A_927 = vector.shape_cast %get3A_926 : vector<1x16xf32> to vector<16xf32>
        %add3A_928 = arith.addf %add3A_898, %get3A_927 : vector<16xf32>
        scf.yield %add3A_907, %add3A_914, %add3A_921, %add3A_928 : vector<16xf32>, vector<16xf32>, vector<16xf32>, vector<16xf32>
      }
      %scan3A_415 = arith.constant 96 : i32
      %scan3A_416 = arith.addi %scan3A_410, %scan3A_415 : i32
      %add3A_417 = arith.constant 0 : i32
      %add3A_418 = arith.addi %add3A_417, %scan3A_416 : i32
      %get3A_419 = arith.index_cast %add3A_418 : i32 to index
      %get3A_420 = arith.constant 0 : index
      %get3A_421 = tpu.vector_load %arg7[%get3A_419, %get3A_420] {strides = array<i32>} : memref<204x128xf32, #tpu.memory_space<vmem>>, vector<1x16xf32>,
      %get3A_422 = vector.shape_cast %get3A_421 : vector<1x16xf32> to vector<16xf32>
      %add3A_423 = arith.addf %scan3A_414#0, %get3A_422 : vector<16xf32>
      %add3A_424 = arith.constant 0 : i32
      %add3A_425 = arith.addi %add3A_424, %scan3A_416 : i32
      %get3A_426 = arith.index_cast %add3A_425 : i32 to index
      %get3A_427 = arith.constant 16 : index
      %get3A_428 = tpu.vector_load %arg7[%get3A_426, %get3A_427] {strides = array<i32>} : memref<204x128xf32, #tpu.memory_space<vmem>>, vector<1x16xf32>,
      %get3A_429 = vector.shape_cast %get3A_428 : vector<1x16xf32> to vector<16xf32>
      %add3A_430 = arith.addf %scan3A_414#1, %get3A_429 : vector<16xf32>
      %add3A_431 = arith.constant 0 : i32
      %add3A_432 = arith.addi %add3A_431, %scan3A_416 : i32
      %get3A_433 = arith.index_cast %add3A_432 : i32 to index
      %get3A_434 = arith.constant 32 : index
      %get3A_435 = tpu.vector_load %arg7[%get3A_433, %get3A_434] {strides = array<i32>} : memref<204x128xf32, #tpu.memory_space<vmem>>, vector<1x16xf32>,
      %get3A_436 = vector.shape_cast %get3A_435 : vector<1x16xf32> to vector<16xf32>
      %add3A_437 = arith.addf %scan3A_414#2, %get3A_436 : vector<16xf32>
      %add3A_438 = arith.constant 0 : i32
      %add3A_439 = arith.addi %add3A_438, %scan3A_416 : i32
      %get3A_440 = arith.index_cast %add3A_439 : i32 to index
      %get3A_441 = arith.constant 48 : index
      %get3A_442 = tpu.vector_load %arg7[%get3A_440, %get3A_441] {strides = array<i32>} : memref<204x128xf32, #tpu.memory_space<vmem>>, vector<1x16xf32>,
      %get3A_443 = vector.shape_cast %get3A_442 : vector<1x16xf32> to vector<16xf32>
      %add3A_444 = arith.addf %scan3A_414#3, %get3A_443 : vector<16xf32>
      %scan3A_445 = arith.constant 97 : i32
      %scan3A_446 = arith.addi %scan3A_410, %scan3A_445 : i32
      %add3A_447 = arith.constant 0 : i32
      %add3A_448 = arith.addi %add3A_447, %scan3A_446 : i32
      %get3A_449 = arith.index_cast %add3A_448 : i32 to index
      %get3A_450 = arith.constant 0 : index
      %get3A_451 = tpu.vector_load %arg7[%get3A_449, %get3A_450] {strides = array<i32>} : memref<204x128xf32, #tpu.memory_space<vmem>>, vector<1x16xf32>,
      %get3A_452 = vector.shape_cast %get3A_451 : vector<1x16xf32> to vector<16xf32>
      %add3A_453 = arith.addf %add3A_423, %get3A_452 : vector<16xf32>
      %add3A_454 = arith.constant 0 : i32
      %add3A_455 = arith.addi %add3A_454, %scan3A_446 : i32
      %get3A_456 = arith.index_cast %add3A_455 : i32 to index
      %get3A_457 = arith.constant 16 : index
      %get3A_458 = tpu.vector_load %arg7[%get3A_456, %get3A_457] {strides = array<i32>} : memref<204x128xf32, #tpu.memory_space<vmem>>, vector<1x16xf32>,
      %get3A_459 = vector.shape_cast %get3A_458 : vector<1x16xf32> to vector<16xf32>
      %add3A_460 = arith.addf %add3A_430, %get3A_459 : vector<16xf32>
      %add3A_461 = arith.constant 0 : i32
      %add3A_462 = arith.addi %add3A_461, %scan3A_446 : i32
      %get3A_463 = arith.index_cast %add3A_462 : i32 to index
      %get3A_464 = arith.constant 32 : index
      %get3A_465 = tpu.vector_load %arg7[%get3A_463, %get3A_464] {strides = array<i32>} : memref<204x128xf32, #tpu.memory_space<vmem>>, vector<1x16xf32>,
      %get3A_466 = vector.shape_cast %get3A_465 : vector<1x16xf32> to vector<16xf32>
      %add3A_467 = arith.addf %add3A_437, %get3A_466 : vector<16xf32>
      %add3A_468 = arith.constant 0 : i32
      %add3A_469 = arith.addi %add3A_468, %scan3A_446 : i32
      %get3A_470 = arith.index_cast %add3A_469 : i32 to index
      %get3A_471 = arith.constant 48 : index
      %get3A_472 = tpu.vector_load %arg7[%get3A_470, %get3A_471] {strides = array<i32>} : memref<204x128xf32, #tpu.memory_space<vmem>>, vector<1x16xf32>,
      %get3A_473 = vector.shape_cast %get3A_472 : vector<1x16xf32> to vector<16xf32>
      %add3A_474 = arith.addf %add3A_444, %get3A_473 : vector<16xf32>
      %scan3A_475 = arith.constant 98 : i32
      %scan3A_476 = arith.addi %scan3A_410, %scan3A_475 : i32
      %add3A_477 = arith.constant 0 : i32
      %add3A_478 = arith.addi %add3A_477, %scan3A_476 : i32
      %get3A_479 = arith.index_cast %add3A_478 : i32 to index
      %get3A_480 = arith.constant 0 : index
      %get3A_481 = tpu.vector_load %arg7[%get3A_479, %get3A_480] {strides = array<i32>} : memref<204x128xf32, #tpu.memory_space<vmem>>, vector<1x16xf32>,
      %get3A_482 = vector.shape_cast %get3A_481 : vector<1x16xf32> to vector<16xf32>
      %add3A_483 = arith.addf %add3A_453, %get3A_482 : vector<16xf32>
      %add3A_484 = arith.constant 0 : i32
      %add3A_485 = arith.addi %add3A_484, %scan3A_476 : i32
      %get3A_486 = arith.index_cast %add3A_485 : i32 to index
      %get3A_487 = arith.constant 16 : index
      %get3A_488 = tpu.vector_load %arg7[%get3A_486, %get3A_487] {strides = array<i32>} : memref<204x128xf32, #tpu.memory_space<vmem>>, vector<1x16xf32>,
      %get3A_489 = vector.shape_cast %get3A_488 : vector<1x16xf32> to vector<16xf32>
      %add3A_490 = arith.addf %add3A_460, %get3A_489 : vector<16xf32>
      %add3A_491 = arith.constant 0 : i32
      %add3A_492 = arith.addi %add3A_491, %scan3A_476 : i32
      %get3A_493 = arith.index_cast %add3A_492 : i32 to index
      %get3A_494 = arith.constant 32 : index
      %get3A_495 = tpu.vector_load %arg7[%get3A_493, %get3A_494] {strides = array<i32>} : memref<204x128xf32, #tpu.memory_space<vmem>>, vector<1x16xf32>,
      %get3A_496 = vector.shape_cast %get3A_495 : vector<1x16xf32> to vector<16xf32>
      %add3A_497 = arith.addf %add3A_467, %get3A_496 : vector<16xf32>
      %add3A_498 = arith.constant 0 : i32
      %add3A_499 = arith.addi %add3A_498, %scan3A_476 : i32
      %get3A_500 = arith.index_cast %add3A_499 : i32 to index
      %get3A_501 = arith.constant 48 : index
      %get3A_502 = tpu.vector_load %arg7[%get3A_500, %get3A_501] {strides = array<i32>} : memref<204x128xf32, #tpu.memory_space<vmem>>, vector<1x16xf32>,
      %get3A_503 = vector.shape_cast %get3A_502 : vector<1x16xf32> to vector<16xf32>
      %add3A_504 = arith.addf %add3A_474, %get3A_503 : vector<16xf32>
      %scan3A_505 = arith.constant 99 : i32
      %scan3A_506 = arith.addi %scan3A_410, %scan3A_505 : i32
      %add3A_507 = arith.constant 0 : i32
      %add3A_508 = arith.addi %add3A_507, %scan3A_506 : i32
      %get3A_509 = arith.index_cast %add3A_508 : i32 to index
      %get3A_510 = arith.constant 0 : index
      %get3A_511 = tpu.vector_load %arg7[%get3A_509, %get3A_510] {strides = array<i32>} : memref<204x128xf32, #tpu.memory_space<vmem>>, vector<1x16xf32>,
      %get3A_512 = vector.shape_cast %get3A_511 : vector<1x16xf32> to vector<16xf32>
      %add3A_513 = arith.addf %add3A_483, %get3A_512 : vector<16xf32>
      %add3A_514 = arith.constant 0 : i32
      %add3A_515 = arith.addi %add3A_514, %scan3A_506 : i32
      %get3A_516 = arith.index_cast %add3A_515 : i32 to index
      %get3A_517 = arith.constant 16 : index
      %get3A_518 = tpu.vector_load %arg7[%get3A_516, %get3A_517] {strides = array<i32>} : memref<204x128xf32, #tpu.memory_space<vmem>>, vector<1x16xf32>,
      %get3A_519 = vector.shape_cast %get3A_518 : vector<1x16xf32> to vector<16xf32>
      %add3A_520 = arith.addf %add3A_490, %get3A_519 : vector<16xf32>
      %add3A_521 = arith.constant 0 : i32
      %add3A_522 = arith.addi %add3A_521, %scan3A_506 : i32
      %get3A_523 = arith.index_cast %add3A_522 : i32 to index
      %get3A_524 = arith.constant 32 : index
      %get3A_525 = tpu.vector_load %arg7[%get3A_523, %get3A_524] {strides = array<i32>} : memref<204x128xf32, #tpu.memory_space<vmem>>, vector<1x16xf32>,
      %get3A_526 = vector.shape_cast %get3A_525 : vector<1x16xf32> to vector<16xf32>
      %add3A_527 = arith.addf %add3A_497, %get3A_526 : vector<16xf32>
      %add3A_528 = arith.constant 0 : i32
      %add3A_529 = arith.addi %add3A_528, %scan3A_506 : i32
      %get3A_530 = arith.index_cast %add3A_529 : i32 to index
      %get3A_531 = arith.constant 48 : index
      %get3A_532 = tpu.vector_load %arg7[%get3A_530, %get3A_531] {strides = array<i32>} : memref<204x128xf32, #tpu.memory_space<vmem>>, vector<1x16xf32>,
      %get3A_533 = vector.shape_cast %get3A_532 : vector<1x16xf32> to vector<16xf32>
      %add3A_534 = arith.addf %add3A_504, %get3A_533 : vector<16xf32>
      %scan3A_535 = arith.constant 100 : i32
      %scan3A_536 = arith.constant 0 : i32
      %scan3A_537 = arith.constant 96 : i32
      %scan3A_538 = arith.addi %scan3A_536, %scan3A_537 : i32
      %scan3A_539 = arith.constant 8 : i32
      %scan3A_540:4 = scf.for %scan3A_686 = %scan3A_536 to %scan3A_538 step %scan3A_539 iter_args(%scan3A_687 = %add3A_513, %scan3A_688 = %add3A_520, %scan3A_689 = %add3A_527, %scan3A_690 = %add3A_534) -> (vector<16xf32>, vector<16xf32>, vector<16xf32>, vector<16xf32>)  : i32 {
        %add3A_691 = arith.constant 104 : i32
        %add3A_692 = arith.addi %add3A_691, %scan3A_686 : i32
        %get3A_693 = arith.index_cast %add3A_692 : i32 to index
        %get3A_694 = arith.constant 0 : index
        %get3A_695 = tpu.vector_load %arg7[%get3A_693, %get3A_694] {strides = array<i32>} : memref<204x128xf32, #tpu.memory_space<vmem>>, vector<1x16xf32>,
        %get3A_696 = vector.shape_cast %get3A_695 : vector<1x16xf32> to vector<16xf32>
        %add3A_697 = arith.addf %scan3A_687, %get3A_696 : vector<16xf32>
        %add3A_698 = arith.constant 104 : i32
        %add3A_699 = arith.addi %add3A_698, %scan3A_686 : i32
        %get3A_700 = arith.index_cast %add3A_699 : i32 to index
        %get3A_701 = arith.constant 16 : index
        %get3A_702 = tpu.vector_load %arg7[%get3A_700, %get3A_701] {strides = array<i32>} : memref<204x128xf32, #tpu.memory_space<vmem>>, vector<1x16xf32>,
        %get3A_703 = vector.shape_cast %get3A_702 : vector<1x16xf32> to vector<16xf32>
        %add3A_704 = arith.addf %scan3A_688, %get3A_703 : vector<16xf32>
        %add3A_705 = arith.constant 104 : i32
        %add3A_706 = arith.addi %add3A_705, %scan3A_686 : i32
        %get3A_707 = arith.index_cast %add3A_706 : i32 to index
        %get3A_708 = arith.constant 32 : index
        %get3A_709 = tpu.vector_load %arg7[%get3A_707, %get3A_708] {strides = array<i32>} : memref<204x128xf32, #tpu.memory_space<vmem>>, vector<1x16xf32>,
        %get3A_710 = vector.shape_cast %get3A_709 : vector<1x16xf32> to vector<16xf32>
        %add3A_711 = arith.addf %scan3A_689, %get3A_710 : vector<16xf32>
        %add3A_712 = arith.constant 104 : i32
        %add3A_713 = arith.addi %add3A_712, %scan3A_686 : i32
        %get3A_714 = arith.index_cast %add3A_713 : i32 to index
        %get3A_715 = arith.constant 48 : index
        %get3A_716 = tpu.vector_load %arg7[%get3A_714, %get3A_715] {strides = array<i32>} : memref<204x128xf32, #tpu.memory_space<vmem>>, vector<1x16xf32>,
        %get3A_717 = vector.shape_cast %get3A_716 : vector<1x16xf32> to vector<16xf32>
        %add3A_718 = arith.addf %scan3A_690, %get3A_717 : vector<16xf32>
        %scan3A_719 = arith.constant 1 : i32
        %scan3A_720 = arith.addi %scan3A_686, %scan3A_719 : i32
        %add3A_721 = arith.constant 104 : i32
        %add3A_722 = arith.addi %add3A_721, %scan3A_720 : i32
        %get3A_723 = arith.index_cast %add3A_722 : i32 to index
        %get3A_724 = arith.constant 0 : index
        %get3A_725 = tpu.vector_load %arg7[%get3A_723, %get3A_724] {strides = array<i32>} : memref<204x128xf32, #tpu.memory_space<vmem>>, vector<1x16xf32>,
        %get3A_726 = vector.shape_cast %get3A_725 : vector<1x16xf32> to vector<16xf32>
        %add3A_727 = arith.addf %add3A_697, %get3A_726 : vector<16xf32>
        %add3A_728 = arith.constant 104 : i32
        %add3A_729 = arith.addi %add3A_728, %scan3A_720 : i32
        %get3A_730 = arith.index_cast %add3A_729 : i32 to index
        %get3A_731 = arith.constant 16 : index
        %get3A_732 = tpu.vector_load %arg7[%get3A_730, %get3A_731] {strides = array<i32>} : memref<204x128xf32, #tpu.memory_space<vmem>>, vector<1x16xf32>,
        %get3A_733 = vector.shape_cast %get3A_732 : vector<1x16xf32> to vector<16xf32>
        %add3A_734 = arith.addf %add3A_704, %get3A_733 : vector<16xf32>
        %add3A_735 = arith.constant 104 : i32
        %add3A_736 = arith.addi %add3A_735, %scan3A_720 : i32
        %get3A_737 = arith.index_cast %add3A_736 : i32 to index
        %get3A_738 = arith.constant 32 : index
        %get3A_739 = tpu.vector_load %arg7[%get3A_737, %get3A_738] {strides = array<i32>} : memref<204x128xf32, #tpu.memory_space<vmem>>, vector<1x16xf32>,
        %get3A_740 = vector.shape_cast %get3A_739 : vector<1x16xf32> to vector<16xf32>
        %add3A_741 = arith.addf %add3A_711, %get3A_740 : vector<16xf32>
        %add3A_742 = arith.constant 104 : i32
        %add3A_743 = arith.addi %add3A_742, %scan3A_720 : i32
        %get3A_744 = arith.index_cast %add3A_743 : i32 to index
        %get3A_745 = arith.constant 48 : index
        %get3A_746 = tpu.vector_load %arg7[%get3A_744, %get3A_745] {strides = array<i32>} : memref<204x128xf32, #tpu.memory_space<vmem>>, vector<1x16xf32>,
        %get3A_747 = vector.shape_cast %get3A_746 : vector<1x16xf32> to vector<16xf32>
        %add3A_748 = arith.addf %add3A_718, %get3A_747 : vector<16xf32>
        %scan3A_749 = arith.constant 2 : i32
        %scan3A_750 = arith.addi %scan3A_686, %scan3A_749 : i32
        %add3A_751 = arith.constant 104 : i32
        %add3A_752 = arith.addi %add3A_751, %scan3A_750 : i32
        %get3A_753 = arith.index_cast %add3A_752 : i32 to index
        %get3A_754 = arith.constant 0 : index
        %get3A_755 = tpu.vector_load %arg7[%get3A_753, %get3A_754] {strides = array<i32>} : memref<204x128xf32, #tpu.memory_space<vmem>>, vector<1x16xf32>,
        %get3A_756 = vector.shape_cast %get3A_755 : vector<1x16xf32> to vector<16xf32>
        %add3A_757 = arith.addf %add3A_727, %get3A_756 : vector<16xf32>
        %add3A_758 = arith.constant 104 : i32
        %add3A_759 = arith.addi %add3A_758, %scan3A_750 : i32
        %get3A_760 = arith.index_cast %add3A_759 : i32 to index
        %get3A_761 = arith.constant 16 : index
        %get3A_762 = tpu.vector_load %arg7[%get3A_760, %get3A_761] {strides = array<i32>} : memref<204x128xf32, #tpu.memory_space<vmem>>, vector<1x16xf32>,
        %get3A_763 = vector.shape_cast %get3A_762 : vector<1x16xf32> to vector<16xf32>
        %add3A_764 = arith.addf %add3A_734, %get3A_763 : vector<16xf32>
        %add3A_765 = arith.constant 104 : i32
        %add3A_766 = arith.addi %add3A_765, %scan3A_750 : i32
        %get3A_767 = arith.index_cast %add3A_766 : i32 to index
        %get3A_768 = arith.constant 32 : index
        %get3A_769 = tpu.vector_load %arg7[%get3A_767, %get3A_768] {strides = array<i32>} : memref<204x128xf32, #tpu.memory_space<vmem>>, vector<1x16xf32>,
        %get3A_770 = vector.shape_cast %get3A_769 : vector<1x16xf32> to vector<16xf32>
        %add3A_771 = arith.addf %add3A_741, %get3A_770 : vector<16xf32>
        %add3A_772 = arith.constant 104 : i32
        %add3A_773 = arith.addi %add3A_772, %scan3A_750 : i32
        %get3A_774 = arith.index_cast %add3A_773 : i32 to index
        %get3A_775 = arith.constant 48 : index
        %get3A_776 = tpu.vector_load %arg7[%get3A_774, %get3A_775] {strides = array<i32>} : memref<204x128xf32, #tpu.memory_space<vmem>>, vector<1x16xf32>,
        %get3A_777 = vector.shape_cast %get3A_776 : vector<1x16xf32> to vector<16xf32>
        %add3A_778 = arith.addf %add3A_748, %get3A_777 : vector<16xf32>
        %scan3A_779 = arith.constant 3 : i32
        %scan3A_780 = arith.addi %scan3A_686, %scan3A_779 : i32
        %add3A_781 = arith.constant 104 : i32
        %add3A_782 = arith.addi %add3A_781, %scan3A_780 : i32
        %get3A_783 = arith.index_cast %add3A_782 : i32 to index
        %get3A_784 = arith.constant 0 : index
        %get3A_785 = tpu.vector_load %arg7[%get3A_783, %get3A_784] {strides = array<i32>} : memref<204x128xf32, #tpu.memory_space<vmem>>, vector<1x16xf32>,
        %get3A_786 = vector.shape_cast %get3A_785 : vector<1x16xf32> to vector<16xf32>
        %add3A_787 = arith.addf %add3A_757, %get3A_786 : vector<16xf32>
        %add3A_788 = arith.constant 104 : i32
        %add3A_789 = arith.addi %add3A_788, %scan3A_780 : i32
        %get3A_790 = arith.index_cast %add3A_789 : i32 to index
        %get3A_791 = arith.constant 16 : index
        %get3A_792 = tpu.vector_load %arg7[%get3A_790, %get3A_791] {strides = array<i32>} : memref<204x128xf32, #tpu.memory_space<vmem>>, vector<1x16xf32>,
        %get3A_793 = vector.shape_cast %get3A_792 : vector<1x16xf32> to vector<16xf32>
        %add3A_794 = arith.addf %add3A_764, %get3A_793 : vector<16xf32>
        %add3A_795 = arith.constant 104 : i32
        %add3A_796 = arith.addi %add3A_795, %scan3A_780 : i32
        %get3A_797 = arith.index_cast %add3A_796 : i32 to index
        %get3A_798 = arith.constant 32 : index
        %get3A_799 = tpu.vector_load %arg7[%get3A_797, %get3A_798] {strides = array<i32>} : memref<204x128xf32, #tpu.memory_space<vmem>>, vector<1x16xf32>,
        %get3A_800 = vector.shape_cast %get3A_799 : vector<1x16xf32> to vector<16xf32>
        %add3A_801 = arith.addf %add3A_771, %get3A_800 : vector<16xf32>
        %add3A_802 = arith.constant 104 : i32
        %add3A_803 = arith.addi %add3A_802, %scan3A_780 : i32
        %get3A_804 = arith.index_cast %add3A_803 : i32 to index
        %get3A_805 = arith.constant 48 : index
        %get3A_806 = tpu.vector_load %arg7[%get3A_804, %get3A_805] {strides = array<i32>} : memref<204x128xf32, #tpu.memory_space<vmem>>, vector<1x16xf32>,
        %get3A_807 = vector.shape_cast %get3A_806 : vector<1x16xf32> to vector<16xf32>
        %add3A_808 = arith.addf %add3A_778, %get3A_807 : vector<16xf32>
        %scan3A_809 = arith.constant 4 : i32
        %scan3A_810 = arith.addi %scan3A_686, %scan3A_809 : i32
        %add3A_811 = arith.constant 104 : i32
        %add3A_812 = arith.addi %add3A_811, %scan3A_810 : i32
        %get3A_813 = arith.index_cast %add3A_812 : i32 to index
        %get3A_814 = arith.constant 0 : index
        %get3A_815 = tpu.vector_load %arg7[%get3A_813, %get3A_814] {strides = array<i32>} : memref<204x128xf32, #tpu.memory_space<vmem>>, vector<1x16xf32>,
        %get3A_816 = vector.shape_cast %get3A_815 : vector<1x16xf32> to vector<16xf32>
        %add3A_817 = arith.addf %add3A_787, %get3A_816 : vector<16xf32>
        %add3A_818 = arith.constant 104 : i32
        %add3A_819 = arith.addi %add3A_818, %scan3A_810 : i32
        %get3A_820 = arith.index_cast %add3A_819 : i32 to index
        %get3A_821 = arith.constant 16 : index
        %get3A_822 = tpu.vector_load %arg7[%get3A_820, %get3A_821] {strides = array<i32>} : memref<204x128xf32, #tpu.memory_space<vmem>>, vector<1x16xf32>,
        %get3A_823 = vector.shape_cast %get3A_822 : vector<1x16xf32> to vector<16xf32>
        %add3A_824 = arith.addf %add3A_794, %get3A_823 : vector<16xf32>
        %add3A_825 = arith.constant 104 : i32
        %add3A_826 = arith.addi %add3A_825, %scan3A_810 : i32
        %get3A_827 = arith.index_cast %add3A_826 : i32 to index
        %get3A_828 = arith.constant 32 : index
        %get3A_829 = tpu.vector_load %arg7[%get3A_827, %get3A_828] {strides = array<i32>} : memref<204x128xf32, #tpu.memory_space<vmem>>, vector<1x16xf32>,
        %get3A_830 = vector.shape_cast %get3A_829 : vector<1x16xf32> to vector<16xf32>
        %add3A_831 = arith.addf %add3A_801, %get3A_830 : vector<16xf32>
        %add3A_832 = arith.constant 104 : i32
        %add3A_833 = arith.addi %add3A_832, %scan3A_810 : i32
        %get3A_834 = arith.index_cast %add3A_833 : i32 to index
        %get3A_835 = arith.constant 48 : index
        %get3A_836 = tpu.vector_load %arg7[%get3A_834, %get3A_835] {strides = array<i32>} : memref<204x128xf32, #tpu.memory_space<vmem>>, vector<1x16xf32>,
        %get3A_837 = vector.shape_cast %get3A_836 : vector<1x16xf32> to vector<16xf32>
        %add3A_838 = arith.addf %add3A_808, %get3A_837 : vector<16xf32>
        %scan3A_839 = arith.constant 5 : i32
        %scan3A_840 = arith.addi %scan3A_686, %scan3A_839 : i32
        %add3A_841 = arith.constant 104 : i32
        %add3A_842 = arith.addi %add3A_841, %scan3A_840 : i32
        %get3A_843 = arith.index_cast %add3A_842 : i32 to index
        %get3A_844 = arith.constant 0 : index
        %get3A_845 = tpu.vector_load %arg7[%get3A_843, %get3A_844] {strides = array<i32>} : memref<204x128xf32, #tpu.memory_space<vmem>>, vector<1x16xf32>,
        %get3A_846 = vector.shape_cast %get3A_845 : vector<1x16xf32> to vector<16xf32>
        %add3A_847 = arith.addf %add3A_817, %get3A_846 : vector<16xf32>
        %add3A_848 = arith.constant 104 : i32
        %add3A_849 = arith.addi %add3A_848, %scan3A_840 : i32
        %get3A_850 = arith.index_cast %add3A_849 : i32 to index
        %get3A_851 = arith.constant 16 : index
        %get3A_852 = tpu.vector_load %arg7[%get3A_850, %get3A_851] {strides = array<i32>} : memref<204x128xf32, #tpu.memory_space<vmem>>, vector<1x16xf32>,
        %get3A_853 = vector.shape_cast %get3A_852 : vector<1x16xf32> to vector<16xf32>
        %add3A_854 = arith.addf %add3A_824, %get3A_853 : vector<16xf32>
        %add3A_855 = arith.constant 104 : i32
        %add3A_856 = arith.addi %add3A_855, %scan3A_840 : i32
        %get3A_857 = arith.index_cast %add3A_856 : i32 to index
        %get3A_858 = arith.constant 32 : index
        %get3A_859 = tpu.vector_load %arg7[%get3A_857, %get3A_858] {strides = array<i32>} : memref<204x128xf32, #tpu.memory_space<vmem>>, vector<1x16xf32>,
        %get3A_860 = vector.shape_cast %get3A_859 : vector<1x16xf32> to vector<16xf32>
        %add3A_861 = arith.addf %add3A_831, %get3A_860 : vector<16xf32>
        %add3A_862 = arith.constant 104 : i32
        %add3A_863 = arith.addi %add3A_862, %scan3A_840 : i32
        %get3A_864 = arith.index_cast %add3A_863 : i32 to index
        %get3A_865 = arith.constant 48 : index
        %get3A_866 = tpu.vector_load %arg7[%get3A_864, %get3A_865] {strides = array<i32>} : memref<204x128xf32, #tpu.memory_space<vmem>>, vector<1x16xf32>,
        %get3A_867 = vector.shape_cast %get3A_866 : vector<1x16xf32> to vector<16xf32>
        %add3A_868 = arith.addf %add3A_838, %get3A_867 : vector<16xf32>
        %scan3A_869 = arith.constant 6 : i32
        %scan3A_870 = arith.addi %scan3A_686, %scan3A_869 : i32
        %add3A_871 = arith.constant 104 : i32
        %add3A_872 = arith.addi %add3A_871, %scan3A_870 : i32
        %get3A_873 = arith.index_cast %add3A_872 : i32 to index
        %get3A_874 = arith.constant 0 : index
        %get3A_875 = tpu.vector_load %arg7[%get3A_873, %get3A_874] {strides = array<i32>} : memref<204x128xf32, #tpu.memory_space<vmem>>, vector<1x16xf32>,
        %get3A_876 = vector.shape_cast %get3A_875 : vector<1x16xf32> to vector<16xf32>
        %add3A_877 = arith.addf %add3A_847, %get3A_876 : vector<16xf32>
        %add3A_878 = arith.constant 104 : i32
        %add3A_879 = arith.addi %add3A_878, %scan3A_870 : i32
        %get3A_880 = arith.index_cast %add3A_879 : i32 to index
        %get3A_881 = arith.constant 16 : index
        %get3A_882 = tpu.vector_load %arg7[%get3A_880, %get3A_881] {strides = array<i32>} : memref<204x128xf32, #tpu.memory_space<vmem>>, vector<1x16xf32>,
        %get3A_883 = vector.shape_cast %get3A_882 : vector<1x16xf32> to vector<16xf32>
        %add3A_884 = arith.addf %add3A_854, %get3A_883 : vector<16xf32>
        %add3A_885 = arith.constant 104 : i32
        %add3A_886 = arith.addi %add3A_885, %scan3A_870 : i32
        %get3A_887 = arith.index_cast %add3A_886 : i32 to index
        %get3A_888 = arith.constant 32 : index
        %get3A_889 = tpu.vector_load %arg7[%get3A_887, %get3A_888] {strides = array<i32>} : memref<204x128xf32, #tpu.memory_space<vmem>>, vector<1x16xf32>,
        %get3A_890 = vector.shape_cast %get3A_889 : vector<1x16xf32> to vector<16xf32>
        %add3A_891 = arith.addf %add3A_861, %get3A_890 : vector<16xf32>
        %add3A_892 = arith.constant 104 : i32
        %add3A_893 = arith.addi %add3A_892, %scan3A_870 : i32
        %get3A_894 = arith.index_cast %add3A_893 : i32 to index
        %get3A_895 = arith.constant 48 : index
        %get3A_896 = tpu.vector_load %arg7[%get3A_894, %get3A_895] {strides = array<i32>} : memref<204x128xf32, #tpu.memory_space<vmem>>, vector<1x16xf32>,
        %get3A_897 = vector.shape_cast %get3A_896 : vector<1x16xf32> to vector<16xf32>
        %add3A_898 = arith.addf %add3A_868, %get3A_897 : vector<16xf32>
        %scan3A_899 = arith.constant 7 : i32
        %scan3A_900 = arith.addi %scan3A_686, %scan3A_899 : i32
        %add3A_901 = arith.constant 104 : i32
        %add3A_902 = arith.addi %add3A_901, %scan3A_900 : i32
        %get3A_903 = arith.index_cast %add3A_902 : i32 to index
        %get3A_904 = arith.constant 0 : index
        %get3A_905 = tpu.vector_load %arg7[%get3A_903, %get3A_904] {strides = array<i32>} : memref<204x128xf32, #tpu.memory_space<vmem>>, vector<1x16xf32>,
        %get3A_906 = vector.shape_cast %get3A_905 : vector<1x16xf32> to vector<16xf32>
        %add3A_907 = arith.addf %add3A_877, %get3A_906 : vector<16xf32>
        %add3A_908 = arith.constant 104 : i32
        %add3A_909 = arith.addi %add3A_908, %scan3A_900 : i32
        %get3A_910 = arith.index_cast %add3A_909 : i32 to index
        %get3A_911 = arith.constant 16 : index
        %get3A_912 = tpu.vector_load %arg7[%get3A_910, %get3A_911] {strides = array<i32>} : memref<204x128xf32, #tpu.memory_space<vmem>>, vector<1x16xf32>,
        %get3A_913 = vector.shape_cast %get3A_912 : vector<1x16xf32> to vector<16xf32>
        %add3A_914 = arith.addf %add3A_884, %get3A_913 : vector<16xf32>
        %add3A_915 = arith.constant 104 : i32
        %add3A_916 = arith.addi %add3A_915, %scan3A_900 : i32
        %get3A_917 = arith.index_cast %add3A_916 : i32 to index
        %get3A_918 = arith.constant 32 : index
        %get3A_919 = tpu.vector_load %arg7[%get3A_917, %get3A_918] {strides = array<i32>} : memref<204x128xf32, #tpu.memory_space<vmem>>, vector<1x16xf32>,
        %get3A_920 = vector.shape_cast %get3A_919 : vector<1x16xf32> to vector<16xf32>
        %add3A_921 = arith.addf %add3A_891, %get3A_920 : vector<16xf32>
        %add3A_922 = arith.constant 104 : i32
        %add3A_923 = arith.addi %add3A_922, %scan3A_900 : i32
        %get3A_924 = arith.index_cast %add3A_923 : i32 to index
        %get3A_925 = arith.constant 48 : index
        %get3A_926 = tpu.vector_load %arg7[%get3A_924, %get3A_925] {strides = array<i32>} : memref<204x128xf32, #tpu.memory_space<vmem>>, vector<1x16xf32>,
        %get3A_927 = vector.shape_cast %get3A_926 : vector<1x16xf32> to vector<16xf32>
        %add3A_928 = arith.addf %add3A_898, %get3A_927 : vector<16xf32>
        scf.yield %add3A_907, %add3A_914, %add3A_921, %add3A_928 : vector<16xf32>, vector<16xf32>, vector<16xf32>, vector<16xf32>
      }
      %scan3A_541 = arith.constant 96 : i32
      %scan3A_542 = arith.addi %scan3A_536, %scan3A_541 : i32
      %add3A_543 = arith.constant 104 : i32
      %add3A_544 = arith.addi %add3A_543, %scan3A_542 : i32
      %get3A_545 = arith.index_cast %add3A_544 : i32 to index
      %get3A_546 = arith.constant 0 : index
      %get3A_547 = tpu.vector_load %arg7[%get3A_545, %get3A_546] {strides = array<i32>} : memref<204x128xf32, #tpu.memory_space<vmem>>, vector<1x16xf32>,
      %get3A_548 = vector.shape_cast %get3A_547 : vector<1x16xf32> to vector<16xf32>
      %add3A_549 = arith.addf %scan3A_540#0, %get3A_548 : vector<16xf32>
      %add3A_550 = arith.constant 104 : i32
      %add3A_551 = arith.addi %add3A_550, %scan3A_542 : i32
      %get3A_552 = arith.index_cast %add3A_551 : i32 to index
      %get3A_553 = arith.constant 16 : index
      %get3A_554 = tpu.vector_load %arg7[%get3A_552, %get3A_553] {strides = array<i32>} : memref<204x128xf32, #tpu.memory_space<vmem>>, vector<1x16xf32>,
      %get3A_555 = vector.shape_cast %get3A_554 : vector<1x16xf32> to vector<16xf32>
      %add3A_556 = arith.addf %scan3A_540#1, %get3A_555 : vector<16xf32>
      %add3A_557 = arith.constant 104 : i32
      %add3A_558 = arith.addi %add3A_557, %scan3A_542 : i32
      %get3A_559 = arith.index_cast %add3A_558 : i32 to index
      %get3A_560 = arith.constant 32 : index
      %get3A_561 = tpu.vector_load %arg7[%get3A_559, %get3A_560] {strides = array<i32>} : memref<204x128xf32, #tpu.memory_space<vmem>>, vector<1x16xf32>,
      %get3A_562 = vector.shape_cast %get3A_561 : vector<1x16xf32> to vector<16xf32>
      %add3A_563 = arith.addf %scan3A_540#2, %get3A_562 : vector<16xf32>
      %add3A_564 = arith.constant 104 : i32
      %add3A_565 = arith.addi %add3A_564, %scan3A_542 : i32
      %get3A_566 = arith.index_cast %add3A_565 : i32 to index
      %get3A_567 = arith.constant 48 : index
      %get3A_568 = tpu.vector_load %arg7[%get3A_566, %get3A_567] {strides = array<i32>} : memref<204x128xf32, #tpu.memory_space<vmem>>, vector<1x16xf32>,
      %get3A_569 = vector.shape_cast %get3A_568 : vector<1x16xf32> to vector<16xf32>
      %add3A_570 = arith.addf %scan3A_540#3, %get3A_569 : vector<16xf32>
      %scan3A_571 = arith.constant 97 : i32
      %scan3A_572 = arith.addi %scan3A_536, %scan3A_571 : i32
      %add3A_573 = arith.constant 104 : i32
      %add3A_574 = arith.addi %add3A_573, %scan3A_572 : i32
      %get3A_575 = arith.index_cast %add3A_574 : i32 to index
      %get3A_576 = arith.constant 0 : index
      %get3A_577 = tpu.vector_load %arg7[%get3A_575, %get3A_576] {strides = array<i32>} : memref<204x128xf32, #tpu.memory_space<vmem>>, vector<1x16xf32>,
      %get3A_578 = vector.shape_cast %get3A_577 : vector<1x16xf32> to vector<16xf32>
      %add3A_579 = arith.addf %add3A_549, %get3A_578 : vector<16xf32>
      %add3A_580 = arith.constant 104 : i32
      %add3A_581 = arith.addi %add3A_580, %scan3A_572 : i32
      %get3A_582 = arith.index_cast %add3A_581 : i32 to index
      %get3A_583 = arith.constant 16 : index
      %get3A_584 = tpu.vector_load %arg7[%get3A_582, %get3A_583] {strides = array<i32>} : memref<204x128xf32, #tpu.memory_space<vmem>>, vector<1x16xf32>,
      %get3A_585 = vector.shape_cast %get3A_584 : vector<1x16xf32> to vector<16xf32>
      %add3A_586 = arith.addf %add3A_556, %get3A_585 : vector<16xf32>
      %add3A_587 = arith.constant 104 : i32
      %add3A_588 = arith.addi %add3A_587, %scan3A_572 : i32
      %get3A_589 = arith.index_cast %add3A_588 : i32 to index
      %get3A_590 = arith.constant 32 : index
      %get3A_591 = tpu.vector_load %arg7[%get3A_589, %get3A_590] {strides = array<i32>} : memref<204x128xf32, #tpu.memory_space<vmem>>, vector<1x16xf32>,
      %get3A_592 = vector.shape_cast %get3A_591 : vector<1x16xf32> to vector<16xf32>
      %add3A_593 = arith.addf %add3A_563, %get3A_592 : vector<16xf32>
      %add3A_594 = arith.constant 104 : i32
      %add3A_595 = arith.addi %add3A_594, %scan3A_572 : i32
      %get3A_596 = arith.index_cast %add3A_595 : i32 to index
      %get3A_597 = arith.constant 48 : index
      %get3A_598 = tpu.vector_load %arg7[%get3A_596, %get3A_597] {strides = array<i32>} : memref<204x128xf32, #tpu.memory_space<vmem>>, vector<1x16xf32>,
      %get3A_599 = vector.shape_cast %get3A_598 : vector<1x16xf32> to vector<16xf32>
      %add3A_600 = arith.addf %add3A_570, %get3A_599 : vector<16xf32>
      %scan3A_601 = arith.constant 98 : i32
      %scan3A_602 = arith.addi %scan3A_536, %scan3A_601 : i32
      %add3A_603 = arith.constant 104 : i32
      %add3A_604 = arith.addi %add3A_603, %scan3A_602 : i32
      %get3A_605 = arith.index_cast %add3A_604 : i32 to index
      %get3A_606 = arith.constant 0 : index
      %get3A_607 = tpu.vector_load %arg7[%get3A_605, %get3A_606] {strides = array<i32>} : memref<204x128xf32, #tpu.memory_space<vmem>>, vector<1x16xf32>,
      %get3A_608 = vector.shape_cast %get3A_607 : vector<1x16xf32> to vector<16xf32>
      %add3A_609 = arith.addf %add3A_579, %get3A_608 : vector<16xf32>
      %add3A_610 = arith.constant 104 : i32
      %add3A_611 = arith.addi %add3A_610, %scan3A_602 : i32
      %get3A_612 = arith.index_cast %add3A_611 : i32 to index
      %get3A_613 = arith.constant 16 : index
      %get3A_614 = tpu.vector_load %arg7[%get3A_612, %get3A_613] {strides = array<i32>} : memref<204x128xf32, #tpu.memory_space<vmem>>, vector<1x16xf32>,
      %get3A_615 = vector.shape_cast %get3A_614 : vector<1x16xf32> to vector<16xf32>
      %add3A_616 = arith.addf %add3A_586, %get3A_615 : vector<16xf32>
      %add3A_617 = arith.constant 104 : i32
      %add3A_618 = arith.addi %add3A_617, %scan3A_602 : i32
      %get3A_619 = arith.index_cast %add3A_618 : i32 to index
      %get3A_620 = arith.constant 32 : index
      %get3A_621 = tpu.vector_load %arg7[%get3A_619, %get3A_620] {strides = array<i32>} : memref<204x128xf32, #tpu.memory_space<vmem>>, vector<1x16xf32>,
      %get3A_622 = vector.shape_cast %get3A_621 : vector<1x16xf32> to vector<16xf32>
      %add3A_623 = arith.addf %add3A_593, %get3A_622 : vector<16xf32>
      %add3A_624 = arith.constant 104 : i32
      %add3A_625 = arith.addi %add3A_624, %scan3A_602 : i32
      %get3A_626 = arith.index_cast %add3A_625 : i32 to index
      %get3A_627 = arith.constant 48 : index
      %get3A_628 = tpu.vector_load %arg7[%get3A_626, %get3A_627] {strides = array<i32>} : memref<204x128xf32, #tpu.memory_space<vmem>>, vector<1x16xf32>,
      %get3A_629 = vector.shape_cast %get3A_628 : vector<1x16xf32> to vector<16xf32>
      %add3A_630 = arith.addf %add3A_600, %get3A_629 : vector<16xf32>
      %scan3A_631 = arith.constant 99 : i32
      %scan3A_632 = arith.addi %scan3A_536, %scan3A_631 : i32
      %add3A_633 = arith.constant 104 : i32
      %add3A_634 = arith.addi %add3A_633, %scan3A_632 : i32
      %get3A_635 = arith.index_cast %add3A_634 : i32 to index
      %get3A_636 = arith.constant 0 : index
      %get3A_637 = tpu.vector_load %arg7[%get3A_635, %get3A_636] {strides = array<i32>} : memref<204x128xf32, #tpu.memory_space<vmem>>, vector<1x16xf32>,
      %get3A_638 = vector.shape_cast %get3A_637 : vector<1x16xf32> to vector<16xf32>
      %add3A_639 = arith.addf %add3A_609, %get3A_638 : vector<16xf32>
      %add3A_640 = arith.constant 104 : i32
      %add3A_641 = arith.addi %add3A_640, %scan3A_632 : i32
      %get3A_642 = arith.index_cast %add3A_641 : i32 to index
      %get3A_643 = arith.constant 16 : index
      %get3A_644 = tpu.vector_load %arg7[%get3A_642, %get3A_643] {strides = array<i32>} : memref<204x128xf32, #tpu.memory_space<vmem>>, vector<1x16xf32>,
      %get3A_645 = vector.shape_cast %get3A_644 : vector<1x16xf32> to vector<16xf32>
      %add3A_646 = arith.addf %add3A_616, %get3A_645 : vector<16xf32>
      %add3A_647 = arith.constant 104 : i32
      %add3A_648 = arith.addi %add3A_647, %scan3A_632 : i32
      %get3A_649 = arith.index_cast %add3A_648 : i32 to index
      %get3A_650 = arith.constant 32 : index
      %get3A_651 = tpu.vector_load %arg7[%get3A_649, %get3A_650] {strides = array<i32>} : memref<204x128xf32, #tpu.memory_space<vmem>>, vector<1x16xf32>,
      %get3A_652 = vector.shape_cast %get3A_651 : vector<1x16xf32> to vector<16xf32>
      %add3A_653 = arith.addf %add3A_623, %get3A_652 : vector<16xf32>
      %add3A_654 = arith.constant 104 : i32
      %add3A_655 = arith.addi %add3A_654, %scan3A_632 : i32
      %get3A_656 = arith.index_cast %add3A_655 : i32 to index
      %get3A_657 = arith.constant 48 : index
      %get3A_658 = tpu.vector_load %arg7[%get3A_656, %get3A_657] {strides = array<i32>} : memref<204x128xf32, #tpu.memory_space<vmem>>, vector<1x16xf32>,
      %get3A_659 = vector.shape_cast %get3A_658 : vector<1x16xf32> to vector<16xf32>
      %add3A_660 = arith.addf %add3A_630, %get3A_659 : vector<16xf32>
      %scan3A_661 = arith.constant 100 : i32
      %mul3A_662 = arith.mulf %add3A_639, %broadcast_in_dim3A_5 : vector<16xf32>
      %swap3A_663 = arith.index_cast %add3A_401 : i32 to index
      %swap3A_664 = arith.constant 0 : index
      %swap3A_665 = tpu.vector_load %arg8[%swap3A_663, %swap3A_664] {strides = array<i32>} : memref<128x64xf32, #tpu.memory_space<vmem>>, vector<1x16xf32>,
      %swap3A_666 = vector.shape_cast %swap3A_665 : vector<1x16xf32> to vector<16xf32>
      %swap3A_667 = vector.shape_cast %mul3A_662 : vector<16xf32> to vector<1x16xf32>
      tpu.vector_store %arg8[%swap3A_663, %swap3A_664], %swap3A_667 {strides = array<i32>} : memref<128x64xf32, #tpu.memory_space<vmem>>, vector<1x16xf32>,
      %mul3A_668 = arith.mulf %add3A_646, %broadcast_in_dim3A_5 : vector<16xf32>
      %swap3A_669 = arith.index_cast %add3A_401 : i32 to index
      %swap3A_670 = arith.constant 16 : index
      %swap3A_671 = tpu.vector_load %arg8[%swap3A_669, %swap3A_670] {strides = array<i32>} : memref<128x64xf32, #tpu.memory_space<vmem>>, vector<1x16xf32>,
      %swap3A_672 = vector.shape_cast %swap3A_671 : vector<1x16xf32> to vector<16xf32>
      %swap3A_673 = vector.shape_cast %mul3A_668 : vector<16xf32> to vector<1x16xf32>
      tpu.vector_store %arg8[%swap3A_669, %swap3A_670], %swap3A_673 {strides = array<i32>} : memref<128x64xf32, #tpu.memory_space<vmem>>, vector<1x16xf32>,
      %mul3A_674 = arith.mulf %add3A_653, %broadcast_in_dim3A_5 : vector<16xf32>
      %swap3A_675 = arith.index_cast %add3A_401 : i32 to index
      %swap3A_676 = arith.constant 32 : index
      %swap3A_677 = tpu.vector_load %arg8[%swap3A_675, %swap3A_676] {strides = array<i32>} : memref<128x64xf32, #tpu.memory_space<vmem>>, vector<1x16xf32>,
      %swap3A_678 = vector.shape_cast %swap3A_677 : vector<1x16xf32> to vector<16xf32>
      %swap3A_679 = vector.shape_cast %mul3A_674 : vector<16xf32> to vector<1x16xf32>
      tpu.vector_store %arg8[%swap3A_675, %swap3A_676], %swap3A_679 {strides = array<i32>} : memref<128x64xf32, #tpu.memory_space<vmem>>, vector<1x16xf32>,
      %mul3A_680 = arith.mulf %add3A_660, %broadcast_in_dim3A_5 : vector<16xf32>
      %swap3A_681 = arith.index_cast %add3A_401 : i32 to index
      %swap3A_682 = arith.constant 48 : index
      %swap3A_683 = tpu.vector_load %arg8[%swap3A_681, %swap3A_682] {strides = array<i32>} : memref<128x64xf32, #tpu.memory_space<vmem>>, vector<1x16xf32>,
      %swap3A_684 = vector.shape_cast %swap3A_683 : vector<1x16xf32> to vector<16xf32>
      %swap3A_685 = vector.shape_cast %mul3A_680 : vector<16xf32> to vector<1x16xf32>
      tpu.vector_store %arg8[%swap3A_681, %swap3A_682], %swap3A_685 {strides = array<i32>} : memref<128x64xf32, #tpu.memory_space<vmem>>, vector<1x16xf32>,
    }
    %scan3A_29 = arith.constant 64 : i32
    "tpu.region"() ({
      %run_scoped3A = tpu.sem_alloc : memref<!tpu.dma_semaphore, #tpu.memory_space<semaphore_mem>>
      %dma_start3A_30 = arith.constant 0 : i32
      %dma_start3A_31 = tpu.memref_slice %arg4[%mul3A_2, %dma_start3A_30] : memref<4096x64xf32, #tpu.memory_space<hbm>> -> memref<128x64xf32, #tpu.memory_space<hbm>>
      %dma_start3A_32 = arith.constant 0 : i32
      %dma_start3A_33 = tpu.memref_slice %arg4[%mul3A_2, %dma_start3A_32] : memref<4096x64xf32, #tpu.memory_space<hbm>> -> memref<128x64xf32, #tpu.memory_space<hbm>>
      tpu.enqueue_dma source(%arg8 : memref<128x64xf32, #tpu.memory_space<vmem>>) target(%dma_start3A_33 : memref<128x64xf32, #tpu.memory_space<hbm>>) target_semaphore(%run_scoped3A : memref<!tpu.dma_semaphore, #tpu.memory_space<semaphore_mem>>)
      %dma_wait3A = arith.constant 0 : i32
      %dma_wait3A_34 = tpu.memref_slice %arg4[%mul3A_2, %dma_wait3A] : memref<4096x64xf32, #tpu.memory_space<hbm>> -> memref<128x64xf32, #tpu.memory_space<hbm>>
      %dma_wait3A_35 = arith.constant 0 : i32
      %dma_wait3A_36 = tpu.memref_slice %arg4[%mul3A_2, %dma_wait3A_35] : memref<4096x64xf32, #tpu.memory_space<hbm>> -> memref<128x64xf32, #tpu.memory_space<hbm>>
      tpu.wait_dma2 semaphore(%run_scoped3A : memref<!tpu.dma_semaphore, #tpu.memory_space<semaphore_mem>>) src(%arg8 : memref<128x64xf32, #tpu.memory_space<vmem>>) dst(%dma_wait3A_36 : memref<128x64xf32, #tpu.memory_space<hbm>>)
      tpu.yield
    }) : () -> ()
    return
  }
}

module attributes {stable_mosaic.version = 14 : i64} {
  func.func @_mlp_body(%arg0: memref<4096x64xf32, #tpu.memory_space<vmem>>, %arg1: memref<64x100xf32, #tpu.memory_space<vmem>>, %arg2: memref<1x100xf32, #tpu.memory_space<vmem>>, %arg3: memref<100x2xf32, #tpu.memory_space<vmem>>, %arg4: memref<1x2xf32, #tpu.memory_space<vmem>>, %arg5: memref<4096x2xf32, #tpu.memory_space<vmem>>) attributes {dimension_semantics = [], scalar_prefetch = 0 : i64, scratch_operands = 0 : i64, tpu.core_type = #tpu.core_type<tc>} {
    %get3A = arith.constant 0 : index
    %get3A_0 = arith.constant 0 : index
    %get3A_1 = vector.load %arg0[%get3A, %get3A_0] : memref<4096x64xf32, #tpu.memory_space<vmem>>, vector<4096x64xf32>
    %get3A_2 = arith.constant 0 : index
    %get3A_3 = arith.constant 0 : index
    %get3A_4 = vector.load %arg1[%get3A_2, %get3A_3] : memref<64x100xf32, #tpu.memory_space<vmem>>, vector<64x100xf32>
    %dot_general3A = arith.constant dense<0.000000e+00> : vector<4096x100xf32>
    %dot_general3A_5 = tpu.matmul %get3A_1, %get3A_4, %dot_general3A {dimension_numbers = #tpu.dot_dimension_numbers<[1], [0], [0], [1], [0, 0, 1, 1], [], []>, transpose_lhs_hint = false} : vector<4096x64xf32>, vector<64x100xf32>, vector<4096x100xf32> -> vector<4096x100xf32>
    %get3A_6 = arith.constant 0 : index
    %get3A_7 = arith.constant 0 : index
    %get3A_8 = vector.load %arg2[%get3A_6, %get3A_7] : memref<1x100xf32, #tpu.memory_space<vmem>>, vector<1x100xf32>
    %add3A = vector.broadcast %get3A_8 : vector<1x100xf32> to vector<4096x100xf32>
    %add3A_9 = arith.addf %dot_general3A_5, %add3A : vector<4096x100xf32>
    %max3A = arith.constant 0.000000e+00 : f32
    %max3A_10 = vector.broadcast %max3A : f32 to vector<4096x100xf32>
    %max3A_11 = arith.maximumf %add3A_9, %max3A_10 : vector<4096x100xf32>
    %get3A_12 = arith.constant 0 : index
    %get3A_13 = arith.constant 0 : index
    %get3A_14 = vector.load %arg3[%get3A_12, %get3A_13] : memref<100x2xf32, #tpu.memory_space<vmem>>, vector<100x2xf32>
    %dot_general3A_15 = arith.constant dense<0.000000e+00> : vector<4096x2xf32>
    %dot_general3A_16 = tpu.matmul %max3A_11, %get3A_14, %dot_general3A_15 {dimension_numbers = #tpu.dot_dimension_numbers<[1], [0], [0], [1], [0, 0, 1, 1], [], []>, transpose_lhs_hint = false} : vector<4096x100xf32>, vector<100x2xf32>, vector<4096x2xf32> -> vector<4096x2xf32>
    %get3A_17 = arith.constant 0 : index
    %get3A_18 = arith.constant 0 : index
    %get3A_19 = vector.load %arg4[%get3A_17, %get3A_18] : memref<1x2xf32, #tpu.memory_space<vmem>>, vector<1x2xf32>
    %add3A_20 = vector.broadcast %get3A_19 : vector<1x2xf32> to vector<4096x2xf32>
    %add3A_21 = arith.addf %dot_general3A_16, %add3A_20 : vector<4096x2xf32>
    %reduce_max3A = arith.constant dense<0xFF800000> : vector<4096xf32>
    %reduce_max3A_22 = vector.multi_reduction <maximumf>, %add3A_21, %reduce_max3A [1] : vector<4096x2xf32> to vector<4096xf32>
    %broadcast_in_dim3A = vector.shape_cast %reduce_max3A_22 : vector<4096xf32> to vector<4096x1xf32>
    %sub3A = vector.broadcast %broadcast_in_dim3A : vector<4096x1xf32> to vector<4096x2xf32>
    %sub3A_23 = arith.subf %add3A_21, %sub3A : vector<4096x2xf32>
    %exp3A = math.exp %sub3A_23 : vector<4096x2xf32>
    %reduce_sum3A = arith.constant dense<0.000000e+00> : vector<4096xf32>
    %reduce_sum3A_24 = vector.multi_reduction <add>, %exp3A, %reduce_sum3A [1] : vector<4096x2xf32> to vector<4096xf32>
    %broadcast_in_dim3A_25 = vector.shape_cast %reduce_sum3A_24 : vector<4096xf32> to vector<4096x1xf32>
    %log3A = math.log %broadcast_in_dim3A_25 : vector<4096x1xf32>
    %add3A_26 = arith.addf %log3A, %broadcast_in_dim3A : vector<4096x1xf32>
    %sub3A_27 = vector.broadcast %add3A_26 : vector<4096x1xf32> to vector<4096x2xf32>
    %sub3A_28 = arith.subf %add3A_21, %sub3A_27 : vector<4096x2xf32>
    %swap3A = arith.constant 0 : index
    %swap3A_29 = arith.constant 0 : index
    %swap3A_30 = vector.load %arg5[%swap3A, %swap3A_29] : memref<4096x2xf32, #tpu.memory_space<vmem>>, vector<4096x2xf32>
    tpu.vector_store %arg5[%swap3A, %swap3A_29], %sub3A_28 {strides = array<i32>} : memref<4096x2xf32, #tpu.memory_space<vmem>>, vector<4096x2xf32>,
    return
  }
}

</mosaic_0001>

<sc_bundles>
// kernel: kernel.4.cloned.1.call-start
scs
__scs_entry_jumppad:
0x0: {  	(pc) =	sbr.rel $0x88, $3  }
0x1: {  	(tag) =	ssettag $0x0;
	lr =	simm.s32 $0x1  }
0x2: {  	[smem:$0x3F9B] =	sst lr;
	_ =	strace $0xD0000000  }
0x3: {  	_ = 	snop  }
0x4: {  	_ = 	snop  }
0x5: {  	_ = 	snop  }
0x6: {  	_ = 	snop  }
0x7: {  	_ = 	snop  }
__scs_overlays_trampoline_lowered:
0x8: {  	[smem:$0x3FAA] =	sst s0  }
0x9: {  	[smem:$0x3FAB] =	sst s1  }
0xa: {  	[smem:$0x3FAC] =	sst s2  }
0xb: {  	[smem:$0x3FAD] =	sst s3  }
0xc: {  	[smem:$0x3FAE] =	sst s4  }
0xd: {  	[smem:$0x3FAF] =	sst s5  }
0xe: {  	[smem:$0x3FB0] =	sst s6  }
0xf: {  	[smem:$0x3FB1] =	sst s7  }
0x10: {  	[smem:$0x3FB2] =	sst s8  }
0x11: {  	[smem:$0x3FB3] =	sst s9;
	s0 =	simm.s32 @!p0 $0x0  }
0x12: {  	s1 =	sld [smem:$0x3F99];
	s0 =	simm.s32 @p0 $0x1  }
0x13: {  	[smem:$0x3FB4] =	sst s0;
	s0 =	simm.s32 @!p1 $0x0  }
0x14: {  	s2 =	sld [smem:$0x3F98];
	s0 =	simm.s32 @p1 $0x1  }
0x15: {  	[smem:$0x3FB5] =	sst s0;
	s0 =	simm.s32 @!p2 $0x0  }
0x16: {  	s3 =	sld [smem:$0x3FDB];
	s0 =	simm.s32 @p2 $0x1  }
0x17: {  	s4 =	simm.s32 $0x1BF5;
	[smem:$0x3FB7] =	sst s0  }
0x18: {  	s0 =	sld [smem:$0x3F9A];
	_ =	swait.ge [sflag:s4], $0x0  }
0x19: {  	s7 =	sld [smem:$0x3F9B]  }
0x1a: {  	s8 =	sadd.s32 $0xFFFFE003, lr  }
0x1b: {  	s9 =	sadd.s32 $0xFFFFFEF7, lr;
	s5 =	simm.s32 $0xFFFFFFFF;
	p2 =	slt.u32 s8, $0xFFFFF086  }
0x1c: {  	p1 =	slt.u32 s9, $0xF7A;
	s5 =	simm.s32 @!p2 $0x0  }
0x1d: {  	s5 =	simm.s32 @p1 $0x1;
	p0 =	seq.s32 s7, s2  }
0x1e: {  	s7 =	smul.u32 @!p0 $0xF7A, s2;
	p2 =	seq.s32 @!p0 s5, $0x0  }
0x1f: {  	s9 =	smul.u32 $0xF7A, s1;
	s8 =	simm.s32 @!p0 $0x1BF5;
	p2 =	por !p2, p0  }
0x20: {  	[sflag:s8] =	ssyncset.s32 @!p0 $0xFFFFF086;
	s6 =	sadd.s32 @!p0 s3, s7;
	s7 =	simm.s32 @!p0 $0x108  }
0x21: {  	s3 =	sadd.s32 s3, s9;
	s6 =	sadd.s32 @!p0 $0x88, s6;
	s7 =	simm.s32 @p2 $0x1082  }
0x22: {  	[simem:s7], [sflag:s8] =	dma.local @!p0 [hbm:s6], $0xF7A  }
0x23: {  	s9 =	sor.u32 $0xD0000000, s2;
	s6 =	simm.s32 $0x108;
	_ =	swait.ge @!p0 [sflag:s8], $0x0  }
0x24: {  	s3 =	sadd.s32 $0x88, s3;
	s6 =	simm.s32 @!p1 $0x1082;
	[sflag:s4] =	ssyncset.s32 $0xFFFFF086  }
0x25: {  	[simem:s6], [sflag:s4] =	dma.local [hbm:s3], $0xF7A  }
0x26: {  	[smem:$0x3F9B] =	sst s1;
	(tag) =	ssettag s2;
	_ =	strace s9  }
0x27: {  	s1 =	sld [smem:$0x3FAB]  }
0x28: {  	s2 =	sld [smem:$0x3FAC]  }
0x29: {  	s4 =	sld [smem:$0x3FAE]  }
0x2a: {  	p0 =	seq.s32 s5, $0x0;
	s5 =	sld [smem:$0x3FAF]  }
0x2b: {  	s6 =	sld [smem:$0x3FB0]  }
0x2c: {  	s7 =	sld [smem:$0x3FB1]  }
0x2d: {  	s3 =	simm.s32 $0x108;
	s8 =	sld [smem:$0x3FB2]  }
0x2e: {  	s3 =	simm.s32 @!p0 $0x1082;
	s9 =	sld [smem:$0x3FB3]  }
0x2f: {  	lr =	sadd.s32 s0, s3;
	s0 =	sld [smem:$0x3FAA]  }
0x30: {  	s3 =	sld [smem:$0x3FAD]  }
0x31: {  	[smem:$0x3FB6] =	sst s10  }
0x32: {  	s10 =	sld [smem:$0x3FB4];
	_ =	sdelay $0x3  }
0x33: {  	p0 =	seq.s32 s10, $0x1;
	s10 =	sld [smem:$0x3FB6];
	_ =	sdelay $0x3  }
0x34: {  	[smem:$0x3FB6] =	sst s10  }
0x35: {  	s10 =	sld [smem:$0x3FB5];
	_ =	sdelay $0x3  }
0x36: {  	p1 =	seq.s32 s10, $0x1;
	s10 =	sld [smem:$0x3FB6];
	_ =	sdelay $0x3  }
0x37: {  	[smem:$0x3FB6] =	sst s10  }
0x38: {  	s10 =	sld [smem:$0x3FB7]  }
0x39: {  	_ = 	snop;
	(pc) =	sbr.ind lr, $3  }
0x3a: {  	_ = 	snop  }
0x3b: {  	_ = 	snop  }
0x3c: {  	p2 =	seq.s32 s10, $0x1;
	s10 =	sld [smem:$0x3FB6]  }
0x3d: {  	_ =	shalt  }
0x3e: {  	_ =	shalt  }
0x3f: {  	_ =	shalt  }
0x40: {  	_ =	shalt  }
0x41: {  	_ =	shalt  }
0x42: {  	_ =	shalt  }
0x43: {  	_ =	shalt  }
0x44: {  	_ =	shalt  }
0x45: {  	_ =	shalt  }
0x46: {  	_ =	shalt  }
0x47: {  	_ =	shalt  }
0x48: {  	_ =	shalt  }
0x49: {  	_ =	shalt  }
0x4a: {  	_ =	shalt  }
0x4b: {  	_ =	shalt  }
0x4c: {  	_ =	shalt  }
0x4d: {  	_ =	shalt  }
0x4e: {  	_ =	shalt  }
0x4f: {  	_ =	shalt  }
0x50: {  	_ =	shalt  }
0x51: {  	_ =	shalt  }
0x52: {  	_ =	shalt  }
0x53: {  	_ =	shalt  }
0x54: {  	_ =	shalt  }
0x55: {  	_ =	shalt  }
0x56: {  	_ =	shalt  }
0x57: {  	_ =	shalt  }
0x58: {  	_ =	shalt  }
0x59: {  	_ =	shalt  }
0x5a: {  	_ =	shalt  }
0x5b: {  	_ =	shalt  }
0x5c: {  	_ =	shalt  }
0x5d: {  	_ =	shalt  }
0x5e: {  	_ =	shalt  }
0x5f: {  	_ =	shalt  }
0x60: {  	_ =	shalt  }
0x61: {  	_ =	shalt  }
0x62: {  	_ =	shalt  }
0x63: {  	_ =	shalt  }
0x64: {  	_ =	shalt  }
0x65: {  	_ =	shalt  }
0x66: {  	_ =	shalt  }
0x67: {  	_ =	shalt  }
0x68: {  	_ =	shalt  }
0x69: {  	_ =	shalt  }
0x6a: {  	_ =	shalt  }
0x6b: {  	_ =	shalt  }
0x6c: {  	_ =	shalt  }
0x6d: {  	_ =	shalt  }
0x6e: {  	_ =	shalt  }
0x6f: {  	_ =	shalt  }
0x70: {  	_ =	shalt  }
0x71: {  	_ =	shalt  }
0x72: {  	_ =	shalt  }
0x73: {  	_ =	shalt  }
0x74: {  	_ =	shalt  }
0x75: {  	_ =	shalt  }
0x76: {  	_ =	shalt  }
0x77: {  	_ =	shalt  }
0x78: {  	_ =	shalt  }
0x79: {  	_ =	shalt  }
0x7a: {  	_ =	shalt  }
0x7b: {  	_ =	shalt  }
0x7c: {  	_ =	shalt  }
0x7d: {  	_ =	shalt  }
0x7e: {  	_ =	shalt  }
0x7f: {  	_ =	shalt  }
0x80: {  	_ =	shalt  }
0x81: {  	_ =	shalt  }
0x82: {  	_ =	shalt  }
0x83: {  	_ =	shalt  }
0x84: {  	_ =	shalt  }
0x85: {  	_ =	shalt  }
0x86: {  	_ =	shalt  }
0x87: {  	_ =	shalt  }
.Lfunc_end0:
.L_simem_size_0:
called_computation_lowered:
.L_overlay_start_0:
0x88: {  	s2 =	sld [smem:$0x3FD9]  }
0x89: {  	s3 =	sld [smem:$0x3FFE];
	_ =	sdelay $0x1  }
0x8a: {  	s1 =	srdreg.scid  }
0x8b: {  	s0 =	sand.u32 $0x1, s1  }
0x8c: {  	s16 =	sshll.u32 s0, $0xA;
	s2 =	sadd.s32 s3, s2  }
0x8d: {  	s2 =	sadd.s32 s2, s16  }
0x8e: {  	[smem:$0x3FC2] =	sst s2  }
0x8f: {  	_ = 	snop  }
0x90: {  	(tm) =	ssettm $0x1  }
0x91: {  	s17 =	sld [smem:$0x3FFB];
	_ =	sdelay $0x3  }
0x92: {  	_ =	strace s17  }
0x93: {  	s2 =	sld [smem:$0x3FFC];
	_ =	sdelay $0x3  }
0x94: {  	_ =	strace s2  }
0x95: {  	s2 =	sld [smem:$0x3FFD];
	_ =	sdelay $0x3  }
0x96: {  	_ =	strace s2  }
0x97: {  	_ =	strace $0x8FFFFFFF  }
0x98: {  	s18 =	sld [smem:$0x3FDB];
	_ =	sdelay $0x1  }
0x99: {  	s19 =	simm.s32 $_scs_section_size  }
0x9a: {  	s4 =	simm.s32 $_size__tile_overlayer_lowered;
	s5 =	simm.s32 $_tile_overlayer_lowered  }
0x9b: {  	s22 =	simm.s32 $0x1BFF;
	s21 =	sshll.u32 s5, $0x1;
	s2 =	sadd.s32 s19, s18  }
0x9c: {  	s6 =	simm.s32 $0x0;
	s20 =	sshll.u32 s4, $0x1;
	s4 =	sadd.s32 s21, s2  }
0x9d: {  	[timem:s6], [sflag:s22] =	dma.local [hbm:s4], s20  }
0x9e: {  	_ =	swait.ge [sflag:s22], s20  }
0x9f: {  	s3 =	ssub.s32 $0x0, s20;
	[sflag:s22] =	ssyncset.done $0x0  }
0xa0: {  	[sflag:s22] =	ssyncadd.s32 s3;
	_ =	sdelay $0x1  }
0xa1: {  	s23 =	simm.s32 $0x1B8B  }
0xa2: {  	_ =	swait.ge [sflag:s23], $0x1  }
0xa3: {  	[sflag:s23] =	ssyncset.done $0x0  }
0xa4: {  	s25 =	simm.s32 $0x1B8E;
	s24 =	sld [smem:$0x3FFE];
	[sflag:s23] =	ssyncadd.s32 $0xFFFFFFFF  }
0xa5: {  	s26 =	simm.s32 $execute0_lowered;
	[smem:$0x3FD2] =	sst s25  }
0xa6: {  	s4 =	sshll.u32 s26, $0x1;
	_ =	strace $0x80000046;
	[dreg:$0x1] =	wrdreg $0xFFFFFFFF  }
0xa7: {  	s28 =	simm.s32 $_size_execute0_lowered;
	s2 =	sadd.s32 s2, s4;
	[dreg:$0x0] =	wrdreg $0x0  }
0xa8: {  	s4 =	sshll.u32 s28, $0x1;
	[dreg:$0x2] =	wrdreg s2  }
0xa9: {  	[dreg:$0x3] =	wrdreg s4  }
0xaa: {  	[dreg:$0x4] =	wrdreg $0xC0  }
0xab: {  	_ =	task [dreg:s6], $0x5FFFF  }
0xac: {  	[dreg:$0x1] =	wrdreg $0xFFFFFFFF  }
0xad: {  	[dreg:$0x0] =	wrdreg $0x60  }
0xae: {  	[dreg:$0x2] =	wrdreg s24  }
0xaf: {  	[dreg:$0x3] =	wrdreg $0x9  }
0xb0: {  	_ =	task.clear_ibuf [dreg:s6], $0x4FFFF;
	_ =	strace $0x90000046  }
0xb1: {  	s29 =	simm.s32 $0x9;
	_ =	strace $0x80000048  }
0xb2: {  	_ =	swait.ge [sflag:s29], $0x1  }
0xb3: {  	[sflag:s29] =	ssyncadd.s32 $0xFFFFFFFF  }
0xb4: {  	_ =	strace $0x90000048  }
0xb5: {  	_ =	sfence  }
0xb6: {  	s30 =	sld [smem:$0x0];
	_ =	sdelay $0x2  }
0xb7: {  	s31 =	sshll.u32 s1, $0xD;
	s1 =	sshrl.u32 s1, $0x2  }
0xb8: {  	s3 =	sand.u32 $0x4000, s31;
	s1 =	sadd.s32 s1, s30  }
0xb9: {  	s0 =	sor.u32 s3, s0;
	s1 =	sshll.u32 s1, $0x11  }
0xba: {  	s0 =	sor.u32 s1, s0  }
0xbb: {  	s0 =	sadd.s32 $0x8F2B, s0  }
0xbc: {  	[sflag:s0] =	ssyncadd.remote.s32 $0x1  }
0xbd: {  	_ =	sfence.sel $0xFFFF  }
0xbe: {  	[dreg:$0x0] =	wrdreg $0xFFFFFFFF;
	(pc) =	sbr.abs _section_cstart, $3  }
0xbf: {  	[dreg:$0x1] =	wrdreg $0xFFFFFFFF  }
0xc0: {  	_ =	task.clear_ibuf [dreg:s6], $0x2FFFF;
	_ =	strace $0x9FFFFFFF  }
0xc1: {  	(tm) =	ssettm $0x7FFFFFFF  }
tec
execute0_lowered:
.L_overlay_start_1:
0x0: {  	(tag) =	ssettag $0x1  }
0x1: {  	s4 =	rddreg [dreg:$0x0]  }
0x2: {  	s0 =	rddreg [dreg:$0x1]  }
0x3: {  	s3 =	srdreg.scid;
	s1 =	stileid.u32;
	s2 =	simm.s32 $0x0  }
0x4: {  	s8 =	simm.s32 $0x64;
	s9 =	simm.s32 $0x8000;
	s10 =	simm.s32 $0x80  }
0x5: {  	s11 =	simm.s32 $0xB400;
	s12 =	simm.s32 $0x1;
	s13 =	simm.s32 $0xE800  }
0x6: {  	s14 =	simm.s32 $0x11C00;
	s15 =	simm.s32 $0x2;
	s16 =	simm.s32 $0x15000  }
0x7: {  	s3 =	sand.u32 $0x1, s3;
	s5 =	sshll.u32 s1, $0x1;
	[smem:$0x7FF] =	sst s2  }
0x8: {  	s17 =	simm.s32 $0x0;
	s5 =	sor.u32 s3, s5;
	_ =	strace $0x80000047  }
0x9: {  	s7 =	ssub.s32 $0x2, s3;
	s3 =	sadd.s32 $0xF63400, s4;
	s6 =	sshll.u32 s5, $0xC  }
0xa: {  	s5 =	sshll.u32 s5, $0xB;
	s31 =	sshrl.u32 s7, $0x1;
	s6 =	sadd.s32 s6, s4  }
0xb: {  	s5 =	sadd.s32 s5, s4;
	s7 =	ssub.s32 s7, s31;
	s4 =	sadd.s32 $0xF43400, s6  }
0xc: {  	s5 =	sadd.s32 $0x1000, s5;
	s6 =	smax.u32 s7, $0x1;
	s7 =	simm.s32 $0x3  }
.LBB2_1:
0xd: {  	[tilespmem:s2], [sflag:$0x3] =	stream.linear.gather [hbm4b:s4+s2], $0x8000, $0x38;
	[tilespmem:$0x19000] =	vst v63  }
0xe: {  	_ =	swait.ge [sflag:s7], $0x8000  }
0xf: {  	[sflag:s7] =	ssyncset.done $0x0  }
0x10: {  	[sflag:s7] =	ssyncadd.s32 $0xFFFF8000  }
0x11: {  	[tilespmem:s9], [sflag:$0x1] =	stream.indirect.gather [hbm4b:s3+s8], $0x80, s2, s8, $0xb8;
	[tilespmem:$0x19000] =	vst v63  }
0x12: {  	s18 =	simm.s32 $0x0  }
0x13: {  	[tilespmem:s11], [sflag:$0x1] =	stream.indirect.gather [hbm4b:s3+s8], $0x80, s10, s8, $0xb8;
	[tilespmem:$0x19000] =	vst v63  }
.LBB2_2:
0x14: {  	_ =	swait.ge [sflag:s12], $0x3200  }
0x15: {  	[sflag:s12] =	ssyncset.done $0x0  }
0x16: {  	[sflag:s12] =	ssyncadd.s32 $0xFFFFCE00  }
0x17: {  	s19 =	sshllo.u32 s18, $0x1;
	_ =	swait.ge [sflag:s12], $0x3200  }
0x18: {  	s20 =	sshll.u32 s19, $0x8;
	[sflag:s12] =	ssyncset.done $0x0  }
0x19: {  	s20 =	sand.u32 $0x3FFFFF00, s20;
	[sflag:s12] =	ssyncadd.s32 $0xFFFFCE00  }
0x1a: {  	[tilespmem:s13], [sflag:$0x2] =	stream.indirect.gather [hbm4b:s3+s8], $0x80, s20, s8, $0xb8;
	[tilespmem:$0x19000] =	vst v63  }
0x1b: {  	s21 =	simm.s32 $0x8200;
	s20 =	sor.u32 $0x80, s20  }
0x1c: {  	[tilespmem:s14], [sflag:$0x2] =	stream.indirect.gather [hbm4b:s3+s8], $0x80, s20, s8, $0xb8;
	[tilespmem:$0x19000] =	vst v63  }
0x1d: {  	v4 =	vld [tilespmem:s21+$0x180]  }
0x1e: {  	v5 =	vld [tilespmem:s21+$0x190]  }
0x1f: {  	v6 =	vld [tilespmem:s21+$0x100]  }
0x20: {  	v7 =	vld [tilespmem:s21+$0x110]  }
0x21: {  	v0 =	vld [tilespmem:s21+$0x80]  }
0x22: {  	v1 =	vld [tilespmem:s21+$0x90]  }
0x23: {  	v2 =	vld [tilespmem:s21+$0x0]  }
0x24: {  	v3 =	vld [tilespmem:s21+$0x10]  }
0x25: {  	v9 =	vld [tilespmem:s21+$0xFFFFFF80]  }
0x26: {  	v10 =	vld [tilespmem:s21+$0xFFFFFF90]  }
0x27: {  	v8 =	vld [tilespmem:s21+$0xFFFFFF00]  }
0x28: {  	v11 =	vld [tilespmem:s21+$0xFFFFFF10]  }
0x29: {  	v12 =	vld [tilespmem:s21+$0xFFFFFE80]  }
0x2a: {  	v13 =	vld [tilespmem:s21+$0xFFFFFE90]  }
0x2b: {  	v14 =	vld [tilespmem:s21+$0xFFFFFE00]  }
0x2c: {  	v15 =	vld [tilespmem:s21+$0xFFFFFE10]  }
0x2d: {  	v16 =	vld [tilespmem:s21+$0xFFFFFE20]  }
0x2e: {  	v17 =	vld [tilespmem:s21+$0xFFFFFE30]  }
0x2f: {  	v18 =	vld [tilespmem:s21+$0xFFFFFEA0]  }
0x30: {  	v19 =	vld [tilespmem:s21+$0xFFFFFEB0]  }
0x31: {  	v20 =	vimm.f32 $0.0e+00;
	v21 =	vld [tilespmem:s21+$0xFFFFFF20]  }
0x32: {  	v22 =	vld [tilespmem:s21+$0xFFFFFF30];
	v14 =	vadd.f32 v14, v20;
	v15 =	vadd.f32 v15, v20  }
0x33: {  	v63 =	vld [tilespmem:s21+$0xFFFFFFA0];
	v16 =	vadd.f32 v16, v20;
	v17 =	vadd.f32 v17, v20  }
0x34: {  	v12 =	vadd.f32 v12, v14;
	v13 =	vadd.f32 v13, v15;
	v14 =	vld [tilespmem:s21+$0xFFFFFFB0]  }
0x35: {  	v15 =	vadd.f32 v18, v16;
	v16 =	vadd.f32 v19, v17;
	v17 =	vld [tilespmem:s21+$0x20]  }
0x36: {  	v12 =	vadd.f32 v8, v12;
	v11 =	vadd.f32 v11, v13;
	v13 =	vld [tilespmem:s21+$0x30]  }
0x37: {  	v15 =	vadd.f32 v21, v15;
	v16 =	vadd.f32 v22, v16;
	v8 =	vld [tilespmem:s21+$0xA0]  }
0x38: {  	v12 =	vadd.f32 v9, v12;
	v10 =	vadd.f32 v10, v11;
	v11 =	vld [tilespmem:s21+$0xB0]  }
0x39: {  	v15 =	vadd.f32 v63, v15;
	v9 =	vld [tilespmem:s21+$0x120];
	v16 =	vadd.f32 v14, v16  }
0x3a: {  	v2 =	vadd.f32 v2, v12;
	v3 =	vadd.f32 v3, v10;
	v12 =	vld [tilespmem:s21+$0x130]  }
0x3b: {  	v14 =	vadd.f32 v17, v15;
	v10 =	vld [tilespmem:s21+$0x1A0];
	v15 =	vadd.f32 v13, v16  }
0x3c: {  	s20 =	simm.s32 $0x0;
	v13 =	vld [tilespmem:s21+$0x1B0];
	s21 =	simm.s32 $0x8600;
	v16 =	vadd.f32 v0, v2;
	v17 =	vadd.f32 v1, v3  }
.LBB2_3:
0x3d: {  	v0 =	vld [tilespmem:s21+$0x180];
	v1 =	vadd.f32 v8, v14;
	v2 =	vadd.f32 v11, v15  }
0x3e: {  	v3 =	vld [tilespmem:s21+$0x190];
	v8 =	vadd.f32 v6, v16;
	v11 =	vadd.f32 v7, v17  }
0x3f: {  	v6 =	vld [tilespmem:s21+$0x100];
	v1 =	vadd.f32 v9, v1;
	v2 =	vadd.f32 v12, v2  }
0x40: {  	v7 =	vld [tilespmem:s21+$0x110];
	v8 =	vadd.f32 v4, v8;
	v9 =	vadd.f32 v5, v11  }
0x41: {  	v16 =	vld [tilespmem:s21+$0x80];
	v1 =	vadd.f32 v10, v1;
	v2 =	vadd.f32 v13, v2  }
0x42: {  	v13 =	vld [tilespmem:s21+$0x90];
	v4 =	vmov v0  }
0x43: {  	v0 =	vld [tilespmem:s21+$0x0];
	v5 =	vmov v3  }
0x44: {  	v3 =	vld [tilespmem:s21+$0x10]  }
0x45: {  	v10 =	vld [tilespmem:s21+$0xFFFFFF80]  }
0x46: {  	v11 =	vld [tilespmem:s21+$0xFFFFFF90]  }
0x47: {  	v12 =	vld [tilespmem:s21+$0xFFFFFF00]  }
0x48: {  	v14 =	vld [tilespmem:s21+$0xFFFFFF10]  }
0x49: {  	v15 =	vld [tilespmem:s21+$0xFFFFFE80]  }
0x4a: {  	v17 =	vld [tilespmem:s21+$0xFFFFFE90]  }
0x4b: {  	v18 =	vld [tilespmem:s21+$0xFFFFFE00]  }
0x4c: {  	v19 =	vld [tilespmem:s21+$0xFFFFFE10]  }
0x4d: {  	v20 =	vld [tilespmem:s21+$0xFFFFFE20]  }
0x4e: {  	s20 =	sadd.s32 $0x8, s20;
	v21 =	vld [tilespmem:s21+$0xFFFFFE30]  }
0x4f: {  	p0 =	slt.u32 s20, $0x58;
	v22 =	vld [tilespmem:s21+$0xFFFFFEA0]  }
0x50: {  	v23 =	vld [tilespmem:s21+$0xFFFFFEB0]  }
0x51: {  	v24 =	vld [tilespmem:s21+$0xFFFFFF20]  }
0x52: {  	v8 =	vadd.f32 v18, v8;
	v9 =	vadd.f32 v19, v9;
	v18 =	vld [tilespmem:s21+$0xFFFFFF30]  }
0x53: {  	v1 =	vadd.f32 v20, v1;
	v2 =	vadd.f32 v21, v2;
	v19 =	vld [tilespmem:s21+$0xFFFFFFA0]  }
0x54: {  	v8 =	vadd.f32 v15, v8;
	v9 =	vadd.f32 v17, v9;
	v15 =	vld [tilespmem:s21+$0xFFFFFFB0]  }
0x55: {  	v1 =	vadd.f32 v22, v1;
	v2 =	vadd.f32 v23, v2;
	v17 =	vld [tilespmem:s21+$0x20]  }
0x56: {  	v12 =	vadd.f32 v12, v8;
	v9 =	vadd.f32 v14, v9;
	v20 =	vld [tilespmem:s21+$0x30]  }
0x57: {  	v1 =	vadd.f32 v24, v1;
	v2 =	vadd.f32 v18, v2;
	v8 =	vld [tilespmem:s21+$0xA0]  }
.Ltmp0:
0x58: {  	v10 =	vadd.f32 v10, v12;
	v12 =	vadd.f32 v11, v9;
	v11 =	vld [tilespmem:s21+$0xB0];
	(pc) =	sbr.rel @p0 .LBB2_3-.Ltmp0, $4  }
0x59: {  	v1 =	vadd.f32 v19, v1;
	v2 =	vadd.f32 v15, v2;
	v9 =	vld [tilespmem:s21+$0x120]  }
0x5a: {  	v0 =	vadd.f32 v0, v10;
	v3 =	vadd.f32 v3, v12;
	v12 =	vld [tilespmem:s21+$0x130]  }
0x5b: {  	v14 =	vadd.f32 v17, v1;
	v15 =	vadd.f32 v20, v2;
	v10 =	vld [tilespmem:s21+$0x1A0]  }
0x5c: {  	v16 =	vadd.f32 v16, v0;
	v17 =	vadd.f32 v13, v3;
	v13 =	vld [tilespmem:s21+$0x1B0];
	s21 =	sadd.s32 $0x400, s21  }
0x5d: {  	v18 =	vld [tilespmem:$0xB000]  }
0x5e: {  	v19 =	vld [tilespmem:$0xB010]  }
0x5f: {  	v20 =	vld [tilespmem:$0xB020]  }
0x60: {  	v21 =	vld [tilespmem:$0xB030]  }
0x61: {  	v22 =	vld [tilespmem:$0xB080]  }
0x62: {  	v23 =	vld [tilespmem:$0xB090]  }
0x63: {  	v24 =	vld [tilespmem:$0xB0A0]  }
0x64: {  	v25 =	vld [tilespmem:$0xB0B0]  }
0x65: {  	v26 =	vld [tilespmem:$0xB100]  }
0x66: {  	v27 =	vld [tilespmem:$0xB110]  }
0x67: {  	v28 =	vld [tilespmem:$0xB120]  }
0x68: {  	v29 =	vld [tilespmem:$0xB130]  }
0x69: {  	v30 =	vld [tilespmem:$0xB180]  }
0x6a: {  	v31 =	vld [tilespmem:$0xB190]  }
0x6b: {  	v32 =	vld [tilespmem:$0xB1A0]  }
0x6c: {  	v33 =	vld [tilespmem:$0xB1B0];
	s21 =	simm.s32 $0xB7B0  }
0x6d: {  	v0 =	vld [tilespmem:s21+$0xFFFFFFD0]  }
0x6e: {  	v1 =	vld [tilespmem:s21+$0xFFFFFFE0]  }
0x6f: {  	v2 =	vld [tilespmem:s21+$0xFFFFFF50]  }
0x70: {  	v3 =	vld [tilespmem:s21+$0xFFFFFF60]  }
0x71: {  	v34 =	vld [tilespmem:s21+$0xFFFFFED0]  }
0x72: {  	v35 =	vld [tilespmem:s21+$0xFFFFFEE0]  }
0x73: {  	v36 =	vld [tilespmem:s21+$0xFFFFFE50]  }
0x74: {  	v37 =	vld [tilespmem:s21+$0xFFFFFE60]  }
0x75: {  	v8 =	vadd.f32 v8, v14;
	v11 =	vadd.f32 v11, v15;
	v14 =	vld [tilespmem:s21+$0xFFFFFDD0]  }
0x76: {  	v6 =	vadd.f32 v6, v16;
	v7 =	vadd.f32 v7, v17;
	v15 =	vld [tilespmem:s21+$0xFFFFFDE0]  }
0x77: {  	v58 =	vld [tilespmem:s21+$0xFFFFFC70];
	v8 =	vadd.f32 v9, v8;
	v9 =	vadd.f32 v12, v11  }
0x78: {  	v59 =	vld [tilespmem:s21+$0xFFFFFC80];
	v4 =	vadd.f32 v4, v6;
	v5 =	vadd.f32 v5, v7  }
0x79: {  	v60 =	vld [tilespmem:s21+$0xFFFFFCF0];
	v7 =	vadd.f32 v10, v8;
	v8 =	vadd.f32 v13, v9  }
0x7a: {  	v61 =	vld [tilespmem:s21+$0xFFFFFD00];
	v4 =	vadd.f32 v18, v4;
	v5 =	vadd.f32 v19, v5  }
0x7b: {  	v62 =	vld [tilespmem:s21+$0xFFFFFD70];
	v7 =	vadd.f32 v20, v7;
	v8 =	vadd.f32 v21, v8  }
0x7c: {  	v12 =	vld [tilespmem:s21+$0xFFFFFC50];
	v4 =	vadd.f32 v22, v4;
	v5 =	vadd.f32 v23, v5  }
0x7d: {  	v13 =	vld [tilespmem:s21+$0xFFFFFC60];
	v7 =	vadd.f32 v24, v7;
	v8 =	vadd.f32 v25, v8  }
0x7e: {  	v9 =	vld [tilespmem:s21+$0xFFFFFCD0];
	v4 =	vadd.f32 v26, v4;
	v5 =	vadd.f32 v27, v5  }
0x7f: {  	v10 =	vld [tilespmem:s21+$0xFFFFFCE0];
	v7 =	vadd.f32 v28, v7;
	v8 =	vadd.f32 v29, v8  }
0x80: {  	v11 =	vld [tilespmem:s21+$0xFFFFFD50];
	v4 =	vadd.f32 v30, v4;
	v5 =	vadd.f32 v31, v5  }
0x81: {  	v6 =	vld [tilespmem:s21+$0xFFFFFD60];
	v7 =	vadd.f32 v32, v7;
	v8 =	vadd.f32 v33, v8  }
0x82: {  	v4 =	vadd.f32 v12, v4;
	v5 =	vadd.f32 v13, v5;
	v12 =	vld [tilespmem:s21+$0xFFFFFD80]  }
0x83: {  	v13 =	vld [tilespmem:s21+$0xFFFFFDF0];
	v7 =	vadd.f32 v58, v7;
	v8 =	vadd.f32 v59, v8  }
0x84: {  	v4 =	vadd.f32 v9, v4;
	v5 =	vadd.f32 v10, v5;
	v9 =	vld [tilespmem:s21+$0xFFFFFE00]  }
0x85: {  	v10 =	vld [tilespmem:s21+$0xFFFFFE70];
	v7 =	vadd.f32 v60, v7;
	v8 =	vadd.f32 v61, v8  }
0x86: {  	v11 =	vadd.f32 v11, v4;
	v5 =	vadd.f32 v6, v5;
	v6 =	vld [tilespmem:s21+$0xFFFFFE80]  }
0x87: {  	v4 =	vld [tilespmem:s21+$0xFFFFFEF0];
	v63 =	vadd.f32 v62, v7;
	v8 =	vadd.f32 v12, v8  }
0x88: {  	v7 =	vld [tilespmem:s21+$0xFFFFFF00];
	v11 =	vadd.f32 v14, v11;
	v12 =	vadd.f32 v15, v5  }
0x89: {  	v5 =	vld [tilespmem:s21+$0xFFFFFF70];
	v13 =	vadd.f32 v13, v63;
	v9 =	vadd.f32 v9, v8  }
0x8a: {  	v8 =	vld [tilespmem:s21+$0xFFFFFF80];
	v14 =	vadd.f32 v36, v11;
	v12 =	vadd.f32 v37, v12  }
0x8b: {  	v11 =	vadd.f32 v10, v13;
	v10 =	vadd.f32 v6, v9;
	v6 =	vld [tilespmem:s21+$0xFFFFFFF0]  }
0x8c: {  	s20 =	simm.s32 $0x0;
	v9 =	vld [tilespmem:s21+$0x0];
	s21 =	simm.s32 $0xBBB0;
	v13 =	vadd.f32 v34, v14;
	v12 =	vadd.f32 v35, v12  }
.LBB2_5:
0x8d: {  	v14 =	vld [tilespmem:s21+$0xFFFFFFD0];
	v4 =	vadd.f32 v4, v11;
	v7 =	vadd.f32 v7, v10  }
0x8e: {  	v10 =	vld [tilespmem:s21+$0xFFFFFFE0];
	v11 =	vadd.f32 v2, v13;
	v12 =	vadd.f32 v3, v12  }
0x8f: {  	v2 =	vld [tilespmem:s21+$0xFFFFFF50];
	v4 =	vadd.f32 v5, v4;
	v5 =	vadd.f32 v8, v7  }
0x90: {  	v3 =	vld [tilespmem:s21+$0xFFFFFF60];
	v7 =	vadd.f32 v0, v11;
	v8 =	vadd.f32 v1, v12  }
0x91: {  	v12 =	vld [tilespmem:s21+$0xFFFFFED0];
	v4 =	vadd.f32 v6, v4;
	v5 =	vadd.f32 v9, v5  }
0x92: {  	v9 =	vld [tilespmem:s21+$0xFFFFFEE0];
	v0 =	vmov v14  }
0x93: {  	v6 =	vld [tilespmem:s21+$0xFFFFFE50];
	v1 =	vmov v10  }
0x94: {  	v10 =	vld [tilespmem:s21+$0xFFFFFE60]  }
0x95: {  	v11 =	vld [tilespmem:s21+$0xFFFFFDD0]  }
0x96: {  	v13 =	vld [tilespmem:s21+$0xFFFFFDE0]  }
0x97: {  	v14 =	vld [tilespmem:s21+$0xFFFFFD50]  }
0x98: {  	v15 =	vld [tilespmem:s21+$0xFFFFFD60]  }
0x99: {  	v16 =	vld [tilespmem:s21+$0xFFFFFCD0]  }
0x9a: {  	v17 =	vld [tilespmem:s21+$0xFFFFFCE0]  }
0x9b: {  	v18 =	vld [tilespmem:s21+$0xFFFFFC50]  }
0x9c: {  	v19 =	vld [tilespmem:s21+$0xFFFFFC60]  }
0x9d: {  	v20 =	vld [tilespmem:s21+$0xFFFFFC70]  }
0x9e: {  	s20 =	sadd.s32 $0x8, s20;
	v21 =	vld [tilespmem:s21+$0xFFFFFC80]  }
0x9f: {  	p0 =	slt.u32 s20, $0x58;
	v22 =	vld [tilespmem:s21+$0xFFFFFCF0]  }
0xa0: {  	v23 =	vld [tilespmem:s21+$0xFFFFFD00]  }
0xa1: {  	v24 =	vld [tilespmem:s21+$0xFFFFFD70]  }
0xa2: {  	v7 =	vadd.f32 v18, v7;
	v8 =	vadd.f32 v19, v8;
	v18 =	vld [tilespmem:s21+$0xFFFFFD80]  }
0xa3: {  	v4 =	vadd.f32 v20, v4;
	v5 =	vadd.f32 v21, v5;
	v19 =	vld [tilespmem:s21+$0xFFFFFDF0]  }
0xa4: {  	v7 =	vadd.f32 v16, v7;
	v8 =	vadd.f32 v17, v8;
	v16 =	vld [tilespmem:s21+$0xFFFFFE00]  }
0xa5: {  	v4 =	vadd.f32 v22, v4;
	v5 =	vadd.f32 v23, v5;
	v17 =	vld [tilespmem:s21+$0xFFFFFE70]  }
0xa6: {  	v7 =	vadd.f32 v14, v7;
	v8 =	vadd.f32 v15, v8;
	v14 =	vld [tilespmem:s21+$0xFFFFFE80]  }
0xa7: {  	v15 =	vadd.f32 v24, v4;
	v5 =	vadd.f32 v18, v5;
	v4 =	vld [tilespmem:s21+$0xFFFFFEF0]  }
.Ltmp1:
0xa8: {  	v11 =	vadd.f32 v11, v7;
	v8 =	vadd.f32 v13, v8;
	v7 =	vld [tilespmem:s21+$0xFFFFFF00];
	(pc) =	sbr.rel @p0 .LBB2_5-.Ltmp1, $4  }
0xa9: {  	v13 =	vadd.f32 v19, v15;
	v15 =	vadd.f32 v16, v5;
	v5 =	vld [tilespmem:s21+$0xFFFFFF70]  }
0xaa: {  	v16 =	vadd.f32 v6, v11;
	v18 =	vadd.f32 v10, v8;
	v8 =	vld [tilespmem:s21+$0xFFFFFF80]  }
0xab: {  	v11 =	vadd.f32 v17, v13;
	v10 =	vadd.f32 v14, v15;
	v6 =	vld [tilespmem:s21+$0xFFFFFFF0]  }
0xac: {  	v13 =	vadd.f32 v12, v16;
	v12 =	vadd.f32 v9, v18;
	v9 =	vld [tilespmem:s21+$0x0];
	s21 =	sadd.s32 $0x400, s21  }
0xad: {  	v14 =	vld [tilespmem:$0xE400]  }
0xae: {  	v15 =	vld [tilespmem:$0xE410]  }
0xaf: {  	v16 =	vld [tilespmem:$0xE420]  }
0xb0: {  	v17 =	vld [tilespmem:$0xE430]  }
0xb1: {  	v18 =	vld [tilespmem:$0xE480]  }
0xb2: {  	v19 =	vld [tilespmem:$0xE490]  }
0xb3: {  	v20 =	vld [tilespmem:$0xE4A0]  }
0xb4: {  	v4 =	vadd.f32 v4, v11;
	v11 =	vld [tilespmem:$0xE4B0];
	v2 =	vadd.f32 v2, v13  }
0xb5: {  	v7 =	vadd.f32 v7, v10;
	v10 =	vld [tilespmem:$0xE500];
	v3 =	vadd.f32 v3, v12  }
0xb6: {  	v55 =	vld [tilespmem:$0xE510];
	v4 =	vadd.f32 v5, v4;
	v0 =	vadd.f32 v0, v2  }
0xb7: {  	v5 =	vadd.f32 v8, v7;
	v7 =	vld [tilespmem:$0xE580];
	v1 =	vadd.f32 v1, v3  }
0xb8: {  	v8 =	vld [tilespmem:$0xE590];
	v4 =	vadd.f32 v6, v4;
	v0 =	vadd.f32 v14, v0  }
0xb9: {  	v3 =	vld [tilespmem:$0xE520];
	v5 =	vadd.f32 v9, v5;
	v1 =	vadd.f32 v15, v1  }
0xba: {  	v6 =	vld [tilespmem:$0xE530];
	v4 =	vadd.f32 v16, v4;
	v0 =	vadd.f32 v18, v0  }
0xbb: {  	v9 =	vld [tilespmem:$0xE5A0];
	v5 =	vadd.f32 v17, v5;
	v1 =	vadd.f32 v19, v1  }
0xbc: {  	v4 =	vadd.f32 v20, v4;
	v0 =	vadd.f32 v10, v0;
	v10 =	vld [tilespmem:$0xE5B0]  }
0xbd: {  	v5 =	vadd.f32 v11, v5;
	v1 =	vadd.f32 v55, v1  }
0xbe: {  	v56 =	vadd.f32 v3, v4;
	v0 =	vadd.f32 v7, v0  }
0xbf: {  	v3 =	vadd.f32 v6, v5;
	v1 =	vadd.f32 v8, v1  }
0xc0: {  	s20 =	sshll.u32 s18, $0x8;
	v2 =	vadd.f32 v9, v56;
	v0 =	vmul.f32 $4.999999890e-03, v0  }
0xc1: {  	s20 =	sand.u32 $0x3FFFFF00, s20;
	v1 =	vmul.f32 $4.999999890e-03, v1;
	v3 =	vadd.f32 v10, v3  }
0xc2: {  	v57 =	vmul.f32 $4.999999890e-03, v2;
	[tilespmem:s20+$0x15000] =	vst v0  }
0xc3: {  	[tilespmem:s20+$0x15010] =	vst v1;
	v58 =	vmul.f32 $4.999999890e-03, v3  }
0xc4: {  	[tilespmem:s20+$0x15020] =	vst v57  }
0xc5: {  	[tilespmem:s20+$0x15030] =	vst v58  }
0xc6: {  	_ =	swait.ge [sflag:s15], $0x3200  }
0xc7: {  	[sflag:s15] =	ssyncset.done $0x0  }
0xc8: {  	p0 =	seq.s32 s18, $0x3F;
	[sflag:s15] =	ssyncadd.s32 $0xFFFFCE00  }
0xc9: {  	s20 =	sshll.u32 @!p0 s18, $0x9;
	_ =	swait.ge [sflag:s15], $0x3200  }
0xca: {  	s22 =	simm.s32 @!p0 $0x64;
	s20 =	sand.u32 @!p0 $0x3FFFFE00, s20;
	[sflag:s15] =	ssyncset.done $0x0  }
0xcb: {  	s23 =	simm.s32 @!p0 $0x8000;
	s21 =	sadd.s32 @!p0 $0x200, s20;
	[sflag:s15] =	ssyncadd.s32 $0xFFFFCE00  }
0xcc: {  	[tilespmem:s23], [sflag:$0x1] =	stream.indirect.gather @!p0 [hbm4b:s3+s22], $0x80, s21, s22, $0xb8;
	[tilespmem:$0x19000] =	vst v63  }
0xcd: {  	s31 =	simm.s32 $0xEA00;
	s20 =	sadd.s32 @!p0 $0x280, s20;
	s21 =	simm.s32 @!p0 $0xB400  }
0xce: {  	[tilespmem:s21], [sflag:$0x1] =	stream.indirect.gather @!p0 [hbm4b:s3+s22], $0x80, s20, s22, $0xb8;
	[tilespmem:$0x19000] =	vst v63  }
0xcf: {  	v4 =	vld [tilespmem:s31+$0x180]  }
0xd0: {  	v5 =	vld [tilespmem:s31+$0x190]  }
0xd1: {  	v6 =	vld [tilespmem:s31+$0x100]  }
0xd2: {  	v7 =	vld [tilespmem:s31+$0x110]  }
0xd3: {  	v59 =	vld [tilespmem:s31+$0x80]  }
0xd4: {  	v60 =	vld [tilespmem:s31+$0x90]  }
0xd5: {  	v61 =	vld [tilespmem:s31+$0x0]  }
0xd6: {  	v3 =	vld [tilespmem:s31+$0x10]  }
0xd7: {  	v9 =	vld [tilespmem:s31+$0xFFFFFF80]  }
0xd8: {  	v10 =	vld [tilespmem:s31+$0xFFFFFF90]  }
0xd9: {  	v8 =	vld [tilespmem:s31+$0xFFFFFF00]  }
0xda: {  	v11 =	vld [tilespmem:s31+$0xFFFFFF10]  }
0xdb: {  	v12 =	vld [tilespmem:s31+$0xFFFFFE80]  }
0xdc: {  	v13 =	vld [tilespmem:s31+$0xFFFFFE90]  }
0xdd: {  	v14 =	vld [tilespmem:s31+$0xFFFFFE00]  }
0xde: {  	v15 =	vld [tilespmem:s31+$0xFFFFFE10]  }
0xdf: {  	v16 =	vld [tilespmem:s31+$0xFFFFFE20]  }
0xe0: {  	v17 =	vld [tilespmem:s31+$0xFFFFFE30]  }
0xe1: {  	v18 =	vld [tilespmem:s31+$0xFFFFFEA0]  }
0xe2: {  	v19 =	vld [tilespmem:s31+$0xFFFFFEB0]  }
0xe3: {  	v62 =	vimm.f32 $0.0e+00;
	v21 =	vld [tilespmem:s31+$0xFFFFFF20]  }
0xe4: {  	v22 =	vld [tilespmem:s31+$0xFFFFFF30];
	v14 =	vadd.f32 v14, v62;
	v15 =	vadd.f32 v15, v62  }
0xe5: {  	v63 =	vld [tilespmem:s31+$0xFFFFFFA0];
	v16 =	vadd.f32 v16, v62;
	v17 =	vadd.f32 v17, v62  }
0xe6: {  	v12 =	vadd.f32 v12, v14;
	v13 =	vadd.f32 v13, v15;
	v14 =	vld [tilespmem:s31+$0xFFFFFFB0]  }
0xe7: {  	v15 =	vadd.f32 v18, v16;
	v16 =	vadd.f32 v19, v17;
	v17 =	vld [tilespmem:s31+$0x20]  }
0xe8: {  	v12 =	vadd.f32 v8, v12;
	v11 =	vadd.f32 v11, v13;
	v13 =	vld [tilespmem:s31+$0x30]  }
0xe9: {  	v15 =	vadd.f32 v21, v15;
	v16 =	vadd.f32 v22, v16;
	v8 =	vld [tilespmem:s31+$0xA0]  }
0xea: {  	v12 =	vadd.f32 v9, v12;
	v10 =	vadd.f32 v10, v11;
	v11 =	vld [tilespmem:s31+$0xB0]  }
0xeb: {  	v15 =	vadd.f32 v63, v15;
	v9 =	vld [tilespmem:s31+$0x120];
	v16 =	vadd.f32 v14, v16  }
0xec: {  	v2 =	vadd.f32 v61, v12;
	v3 =	vadd.f32 v3, v10;
	v12 =	vld [tilespmem:s31+$0x130]  }
0xed: {  	v14 =	vadd.f32 v17, v15;
	v10 =	vld [tilespmem:s31+$0x1A0];
	v15 =	vadd.f32 v13, v16  }
0xee: {  	s20 =	simm.s32 $0x0;
	s21 =	simm.s32 $0xEE00;
	v13 =	vld [tilespmem:s31+$0x1B0];
	v16 =	vadd.f32 v59, v2;
	v17 =	vadd.f32 v60, v3  }
.LBB2_7:
0xef: {  	v0 =	vld [tilespmem:s21+$0x180];
	v1 =	vadd.f32 v8, v14;
	v2 =	vadd.f32 v11, v15  }
0xf0: {  	v3 =	vld [tilespmem:s21+$0x190];
	v8 =	vadd.f32 v6, v16;
	v11 =	vadd.f32 v7, v17  }
0xf1: {  	v6 =	vld [tilespmem:s21+$0x100];
	v1 =	vadd.f32 v9, v1;
	v2 =	vadd.f32 v12, v2  }
0xf2: {  	v7 =	vld [tilespmem:s21+$0x110];
	v8 =	vadd.f32 v4, v8;
	v9 =	vadd.f32 v5, v11  }
0xf3: {  	v16 =	vld [tilespmem:s21+$0x80];
	v1 =	vadd.f32 v10, v1;
	v2 =	vadd.f32 v13, v2  }
0xf4: {  	v13 =	vld [tilespmem:s21+$0x90];
	v4 =	vmov v0  }
0xf5: {  	v0 =	vld [tilespmem:s21+$0x0];
	v5 =	vmov v3  }
0xf6: {  	v3 =	vld [tilespmem:s21+$0x10]  }
0xf7: {  	v10 =	vld [tilespmem:s21+$0xFFFFFF80]  }
0xf8: {  	v11 =	vld [tilespmem:s21+$0xFFFFFF90]  }
0xf9: {  	v12 =	vld [tilespmem:s21+$0xFFFFFF00]  }
0xfa: {  	v14 =	vld [tilespmem:s21+$0xFFFFFF10]  }
0xfb: {  	v15 =	vld [tilespmem:s21+$0xFFFFFE80]  }
0xfc: {  	v17 =	vld [tilespmem:s21+$0xFFFFFE90]  }
0xfd: {  	v18 =	vld [tilespmem:s21+$0xFFFFFE00]  }
0xfe: {  	v19 =	vld [tilespmem:s21+$0xFFFFFE10]  }
0xff: {  	v20 =	vld [tilespmem:s21+$0xFFFFFE20]  }
0x100: {  	s20 =	sadd.s32 $0x8, s20;
	v21 =	vld [tilespmem:s21+$0xFFFFFE30]  }
0x101: {  	p0 =	slt.u32 s20, $0x58;
	v22 =	vld [tilespmem:s21+$0xFFFFFEA0]  }
0x102: {  	v23 =	vld [tilespmem:s21+$0xFFFFFEB0]  }
0x103: {  	v24 =	vld [tilespmem:s21+$0xFFFFFF20]  }
0x104: {  	v8 =	vadd.f32 v18, v8;
	v9 =	vadd.f32 v19, v9;
	v18 =	vld [tilespmem:s21+$0xFFFFFF30]  }
0x105: {  	v1 =	vadd.f32 v20, v1;
	v2 =	vadd.f32 v21, v2;
	v19 =	vld [tilespmem:s21+$0xFFFFFFA0]  }
0x106: {  	v8 =	vadd.f32 v15, v8;
	v9 =	vadd.f32 v17, v9;
	v15 =	vld [tilespmem:s21+$0xFFFFFFB0]  }
0x107: {  	v1 =	vadd.f32 v22, v1;
	v2 =	vadd.f32 v23, v2;
	v17 =	vld [tilespmem:s21+$0x20]  }
0x108: {  	v12 =	vadd.f32 v12, v8;
	v9 =	vadd.f32 v14, v9;
	v20 =	vld [tilespmem:s21+$0x30]  }
0x109: {  	v1 =	vadd.f32 v24, v1;
	v2 =	vadd.f32 v18, v2;
	v8 =	vld [tilespmem:s21+$0xA0]  }
.Ltmp2:
0x10a: {  	v10 =	vadd.f32 v10, v12;
	v12 =	vadd.f32 v11, v9;
	v11 =	vld [tilespmem:s21+$0xB0];
	(pc) =	sbr.rel @p0 .LBB2_7-.Ltmp2, $4  }
0x10b: {  	v1 =	vadd.f32 v19, v1;
	v2 =	vadd.f32 v15, v2;
	v9 =	vld [tilespmem:s21+$0x120]  }
0x10c: {  	v0 =	vadd.f32 v0, v10;
	v3 =	vadd.f32 v3, v12;
	v12 =	vld [tilespmem:s21+$0x130]  }
0x10d: {  	v14 =	vadd.f32 v17, v1;
	v15 =	vadd.f32 v20, v2;
	v10 =	vld [tilespmem:s21+$0x1A0]  }
0x10e: {  	v16 =	vadd.f32 v16, v0;
	v17 =	vadd.f32 v13, v3;
	v13 =	vld [tilespmem:s21+$0x1B0];
	s21 =	sadd.s32 $0x400, s21  }
0x10f: {  	v18 =	vld [tilespmem:$0x11800]  }
0x110: {  	v19 =	vld [tilespmem:$0x11810]  }
0x111: {  	v20 =	vld [tilespmem:$0x11820]  }
0x112: {  	v21 =	vld [tilespmem:$0x11830]  }
0x113: {  	v22 =	vld [tilespmem:$0x11880]  }
0x114: {  	v23 =	vld [tilespmem:$0x11890]  }
0x115: {  	v24 =	vld [tilespmem:$0x118A0]  }
0x116: {  	v25 =	vld [tilespmem:$0x118B0]  }
0x117: {  	v26 =	vld [tilespmem:$0x11900]  }
0x118: {  	v27 =	vld [tilespmem:$0x11910]  }
0x119: {  	v28 =	vld [tilespmem:$0x11920]  }
0x11a: {  	v29 =	vld [tilespmem:$0x11930]  }
0x11b: {  	v30 =	vld [tilespmem:$0x11980]  }
0x11c: {  	v31 =	vld [tilespmem:$0x11990]  }
0x11d: {  	v32 =	vld [tilespmem:$0x119A0]  }
0x11e: {  	v33 =	vld [tilespmem:$0x119B0];
	s21 =	simm.s32 $0x11FB0  }
0x11f: {  	v0 =	vld [tilespmem:s21+$0xFFFFFFD0]  }
0x120: {  	v1 =	vld [tilespmem:s21+$0xFFFFFFE0]  }
0x121: {  	v2 =	vld [tilespmem:s21+$0xFFFFFF50]  }
0x122: {  	v3 =	vld [tilespmem:s21+$0xFFFFFF60]  }
0x123: {  	v34 =	vld [tilespmem:s21+$0xFFFFFED0]  }
0x124: {  	v35 =	vld [tilespmem:s21+$0xFFFFFEE0]  }
0x125: {  	v36 =	vld [tilespmem:s21+$0xFFFFFE50]  }
0x126: {  	v37 =	vld [tilespmem:s21+$0xFFFFFE60]  }
0x127: {  	v8 =	vadd.f32 v8, v14;
	v11 =	vadd.f32 v11, v15;
	v14 =	vld [tilespmem:s21+$0xFFFFFDD0]  }
0x128: {  	v6 =	vadd.f32 v6, v16;
	v7 =	vadd.f32 v7, v17;
	v15 =	vld [tilespmem:s21+$0xFFFFFDE0]  }
0x129: {  	v58 =	vld [tilespmem:s21+$0xFFFFFC70];
	v8 =	vadd.f32 v9, v8;
	v9 =	vadd.f32 v12, v11  }
0x12a: {  	v59 =	vld [tilespmem:s21+$0xFFFFFC80];
	v4 =	vadd.f32 v4, v6;
	v5 =	vadd.f32 v5, v7  }
0x12b: {  	v60 =	vld [tilespmem:s21+$0xFFFFFCF0];
	v7 =	vadd.f32 v10, v8;
	v8 =	vadd.f32 v13, v9  }
0x12c: {  	v61 =	vld [tilespmem:s21+$0xFFFFFD00];
	v4 =	vadd.f32 v18, v4;
	v5 =	vadd.f32 v19, v5  }
0x12d: {  	v62 =	vld [tilespmem:s21+$0xFFFFFD70];
	v7 =	vadd.f32 v20, v7;
	v8 =	vadd.f32 v21, v8  }
0x12e: {  	v12 =	vld [tilespmem:s21+$0xFFFFFC50];
	v4 =	vadd.f32 v22, v4;
	v5 =	vadd.f32 v23, v5  }
0x12f: {  	v13 =	vld [tilespmem:s21+$0xFFFFFC60];
	v7 =	vadd.f32 v24, v7;
	v8 =	vadd.f32 v25, v8  }
0x130: {  	v9 =	vld [tilespmem:s21+$0xFFFFFCD0];
	v4 =	vadd.f32 v26, v4;
	v5 =	vadd.f32 v27, v5  }
0x131: {  	v10 =	vld [tilespmem:s21+$0xFFFFFCE0];
	v7 =	vadd.f32 v28, v7;
	v8 =	vadd.f32 v29, v8  }
0x132: {  	v11 =	vld [tilespmem:s21+$0xFFFFFD50];
	v4 =	vadd.f32 v30, v4;
	v5 =	vadd.f32 v31, v5  }
0x133: {  	v6 =	vld [tilespmem:s21+$0xFFFFFD60];
	v7 =	vadd.f32 v32, v7;
	v8 =	vadd.f32 v33, v8  }
0x134: {  	v4 =	vadd.f32 v12, v4;
	v5 =	vadd.f32 v13, v5;
	v12 =	vld [tilespmem:s21+$0xFFFFFD80]  }
0x135: {  	v13 =	vld [tilespmem:s21+$0xFFFFFDF0];
	v7 =	vadd.f32 v58, v7;
	v8 =	vadd.f32 v59, v8  }
0x136: {  	v4 =	vadd.f32 v9, v4;
	v5 =	vadd.f32 v10, v5;
	v9 =	vld [tilespmem:s21+$0xFFFFFE00]  }
0x137: {  	v10 =	vld [tilespmem:s21+$0xFFFFFE70];
	v7 =	vadd.f32 v60, v7;
	v8 =	vadd.f32 v61, v8  }
0x138: {  	v11 =	vadd.f32 v11, v4;
	v5 =	vadd.f32 v6, v5;
	v6 =	vld [tilespmem:s21+$0xFFFFFE80]  }
0x139: {  	v4 =	vld [tilespmem:s21+$0xFFFFFEF0];
	v63 =	vadd.f32 v62, v7;
	v8 =	vadd.f32 v12, v8  }
0x13a: {  	v7 =	vld [tilespmem:s21+$0xFFFFFF00];
	v11 =	vadd.f32 v14, v11;
	v12 =	vadd.f32 v15, v5  }
0x13b: {  	v5 =	vld [tilespmem:s21+$0xFFFFFF70];
	v13 =	vadd.f32 v13, v63;
	v9 =	vadd.f32 v9, v8  }
0x13c: {  	v8 =	vld [tilespmem:s21+$0xFFFFFF80];
	v14 =	vadd.f32 v36, v11;
	v12 =	vadd.f32 v37, v12  }
0x13d: {  	v11 =	vadd.f32 v10, v13;
	v10 =	vadd.f32 v6, v9;
	v6 =	vld [tilespmem:s21+$0xFFFFFFF0]  }
0x13e: {  	s20 =	simm.s32 $0x0;
	v9 =	vld [tilespmem:s21+$0x0];
	s21 =	simm.s32 $0x123B0;
	v13 =	vadd.f32 v34, v14;
	v12 =	vadd.f32 v35, v12  }
.LBB2_9:
0x13f: {  	v14 =	vld [tilespmem:s21+$0xFFFFFFD0];
	v4 =	vadd.f32 v4, v11;
	v7 =	vadd.f32 v7, v10  }
0x140: {  	v10 =	vld [tilespmem:s21+$0xFFFFFFE0];
	v11 =	vadd.f32 v2, v13;
	v12 =	vadd.f32 v3, v12  }
0x141: {  	v2 =	vld [tilespmem:s21+$0xFFFFFF50];
	v4 =	vadd.f32 v5, v4;
	v5 =	vadd.f32 v8, v7  }
0x142: {  	v3 =	vld [tilespmem:s21+$0xFFFFFF60];
	v7 =	vadd.f32 v0, v11;
	v8 =	vadd.f32 v1, v12  }
0x143: {  	v12 =	vld [tilespmem:s21+$0xFFFFFED0];
	v4 =	vadd.f32 v6, v4;
	v5 =	vadd.f32 v9, v5  }
0x144: {  	v9 =	vld [tilespmem:s21+$0xFFFFFEE0];
	v0 =	vmov v14  }
0x145: {  	v6 =	vld [tilespmem:s21+$0xFFFFFE50];
	v1 =	vmov v10  }
0x146: {  	v10 =	vld [tilespmem:s21+$0xFFFFFE60]  }
0x147: {  	v11 =	vld [tilespmem:s21+$0xFFFFFDD0]  }
0x148: {  	v13 =	vld [tilespmem:s21+$0xFFFFFDE0]  }
0x149: {  	v14 =	vld [tilespmem:s21+$0xFFFFFD50]  }
0x14a: {  	v15 =	vld [tilespmem:s21+$0xFFFFFD60]  }
0x14b: {  	v16 =	vld [tilespmem:s21+$0xFFFFFCD0]  }
0x14c: {  	v17 =	vld [tilespmem:s21+$0xFFFFFCE0]  }
0x14d: {  	v18 =	vld [tilespmem:s21+$0xFFFFFC50]  }
0x14e: {  	v19 =	vld [tilespmem:s21+$0xFFFFFC60]  }
0x14f: {  	v20 =	vld [tilespmem:s21+$0xFFFFFC70]  }
0x150: {  	s20 =	sadd.s32 $0x8, s20;
	v21 =	vld [tilespmem:s21+$0xFFFFFC80]  }
0x151: {  	p0 =	slt.u32 s20, $0x58;
	v22 =	vld [tilespmem:s21+$0xFFFFFCF0]  }
0x152: {  	v23 =	vld [tilespmem:s21+$0xFFFFFD00]  }
0x153: {  	v24 =	vld [tilespmem:s21+$0xFFFFFD70]  }
0x154: {  	v7 =	vadd.f32 v18, v7;
	v8 =	vadd.f32 v19, v8;
	v18 =	vld [tilespmem:s21+$0xFFFFFD80]  }
0x155: {  	v4 =	vadd.f32 v20, v4;
	v5 =	vadd.f32 v21, v5;
	v19 =	vld [tilespmem:s21+$0xFFFFFDF0]  }
0x156: {  	v7 =	vadd.f32 v16, v7;
	v8 =	vadd.f32 v17, v8;
	v16 =	vld [tilespmem:s21+$0xFFFFFE00]  }
0x157: {  	v4 =	vadd.f32 v22, v4;
	v5 =	vadd.f32 v23, v5;
	v17 =	vld [tilespmem:s21+$0xFFFFFE70]  }
0x158: {  	v7 =	vadd.f32 v14, v7;
	v8 =	vadd.f32 v15, v8;
	v14 =	vld [tilespmem:s21+$0xFFFFFE80]  }
0x159: {  	v15 =	vadd.f32 v24, v4;
	v5 =	vadd.f32 v18, v5;
	v4 =	vld [tilespmem:s21+$0xFFFFFEF0]  }
.Ltmp3:
0x15a: {  	v11 =	vadd.f32 v11, v7;
	v8 =	vadd.f32 v13, v8;
	v7 =	vld [tilespmem:s21+$0xFFFFFF00];
	(pc) =	sbr.rel @p0 .LBB2_9-.Ltmp3, $4  }
0x15b: {  	v13 =	vadd.f32 v19, v15;
	v15 =	vadd.f32 v16, v5;
	v5 =	vld [tilespmem:s21+$0xFFFFFF70]  }
0x15c: {  	v16 =	vadd.f32 v6, v11;
	v18 =	vadd.f32 v10, v8;
	v8 =	vld [tilespmem:s21+$0xFFFFFF80]  }
0x15d: {  	v11 =	vadd.f32 v17, v13;
	v10 =	vadd.f32 v14, v15;
	v6 =	vld [tilespmem:s21+$0xFFFFFFF0]  }
0x15e: {  	v13 =	vadd.f32 v12, v16;
	v12 =	vadd.f32 v9, v18;
	v9 =	vld [tilespmem:s21+$0x0];
	s21 =	sadd.s32 $0x400, s21  }
0x15f: {  	v14 =	vld [tilespmem:$0x14C00]  }
0x160: {  	v15 =	vld [tilespmem:$0x14C10]  }
0x161: {  	v16 =	vld [tilespmem:$0x14C20]  }
0x162: {  	v17 =	vld [tilespmem:$0x14C30]  }
0x163: {  	v18 =	vld [tilespmem:$0x14C80]  }
0x164: {  	v19 =	vld [tilespmem:$0x14C90]  }
0x165: {  	v20 =	vld [tilespmem:$0x14CA0]  }
0x166: {  	v4 =	vadd.f32 v4, v11;
	v50 =	vld [tilespmem:$0x14CB0];
	v2 =	vadd.f32 v2, v13  }
0x167: {  	v7 =	vadd.f32 v7, v10;
	v51 =	vld [tilespmem:$0x14D00];
	v3 =	vadd.f32 v3, v12  }
0x168: {  	v52 =	vld [tilespmem:$0x14D10];
	v4 =	vadd.f32 v5, v4;
	v0 =	vadd.f32 v0, v2  }
0x169: {  	v54 =	vld [tilespmem:$0x14D20];
	v53 =	vadd.f32 v8, v7;
	v1 =	vadd.f32 v1, v3  }
0x16a: {  	v55 =	vld [tilespmem:$0x14D30];
	v4 =	vadd.f32 v6, v4;
	v0 =	vadd.f32 v14, v0  }
0x16b: {  	v56 =	vld [tilespmem:$0x14D80];
	v5 =	vadd.f32 v9, v53;
	v1 =	vadd.f32 v15, v1  }
0x16c: {  	v57 =	vld [tilespmem:$0x14D90];
	v4 =	vadd.f32 v16, v4;
	v0 =	vadd.f32 v18, v0  }
0x16d: {  	v58 =	vld [tilespmem:$0x14DA0];
	v5 =	vadd.f32 v17, v5;
	v1 =	vadd.f32 v19, v1  }
0x16e: {  	v59 =	vld [tilespmem:$0x14DB0];
	v4 =	vadd.f32 v20, v4;
	v0 =	vadd.f32 v51, v0  }
0x16f: {  	v5 =	vadd.f32 v50, v5;
	v1 =	vadd.f32 v52, v1  }
0x170: {  	v60 =	vadd.f32 v54, v4;
	v0 =	vadd.f32 v56, v0  }
0x171: {  	s18 =	sadd.s32 $0x1, s18;
	v61 =	vadd.f32 v55, v5;
	v1 =	vadd.f32 v57, v1  }
0x172: {  	s19 =	sshll.u32 s19, $0x7;
	p0 =	sne.s32 s18, $0x40;
	v2 =	vadd.f32 v58, v60;
	v0 =	vmul.f32 $4.999999890e-03, v0  }
.Ltmp4:
0x173: {  	s19 =	sand.u32 $0x3FFFFF80, s19;
	v3 =	vadd.f32 v59, v61;
	v1 =	vmul.f32 $4.999999890e-03, v1;
	(pc) =	sbr.rel @p0 .LBB2_2-.Ltmp4, $4  }
0x174: {  	v62 =	vmul.f32 $4.999999890e-03, v2;
	[tilespmem:s19+$0x15000] =	vst v0  }
0x175: {  	v63 =	vmul.f32 $4.999999890e-03, v3;
	[tilespmem:s19+$0x15010] =	vst v1  }
0x176: {  	[tilespmem:s19+$0x15020] =	vst v62  }
0x177: {  	[tilespmem:s19+$0x15030] =	vst v63  }
0x178: {  	s17 =	sadd.s32 $0x1, s17  }
0x179: {  	p0 =	sne.s32 s17, s6  }
.Ltmp5:
0x17a: {  	_ = 	snop;
	(pc) =	sbr.rel @p0 .LBB2_1-.Ltmp5, $4  }
0x17b: {  	[hbm4b:s5+s2] =	stream.linear.scatter [tilespmem:s16], [sflag:$0x3], $0x4000, $0x38;
	[tilespmem:$0x19000] =	vst v63  }
0x17c: {  	_ =	swait.ge [sflag:s7], $0x4000  }
0x17d: {  	[sflag:s7] =	ssyncset.done $0x0  }
0x17e: {  	[sflag:s7] =	ssyncadd.s32 $0xFFFFC000  }
0x17f: {  	_ =	sfence.sel $0x180000  }
0x180: {  	[bflag:$0x0] =	sbarrier.arrive $0xFFFF  }
0x181: {  	p0 =	sne.s32 s1, $0x0;
	_ =	strace $0x90000047  }
0x182: {  	s0 =	sadd.s32 @!p0 $0x100000, s0;
	[bflag:$0x2] =	sbarrier.arrive $0xFFFF  }
0x183: {  	[sflag:s0] =	ssyncadd.tile.s32 @!p0 $0x1;
	_ =	shalt  }
.Lfunc_end2:
_tile_overlayer_lowered:
.L_overlay_start_2:
0x184: {  	(tag) =	ssettag $0x2  }
0x185: {  	s0 =	rddreg [dreg:$0x0];
	s2 =	stileid.u32  }
0x186: {  	s1 =	rddreg [dreg:$0x1];
	p0 =	sne.s32 s2, $0x0  }
0x187: {  	s3 =	rddreg [dreg:$0x2];
	[bflag:$0x3] =	sbarrier.arrive $0xFFFF;
	s2 =	simm.s32 @!p0 $0x1C03  }
0x188: {  	[timem:s3], [sflag:s2] =	dma.local @!p0 [hbm:s0], s1  }
0x189: {  	s0 =	simm.s32 @!p0 $0x3  }
0x18a: {  	_ =	swait.ge @!p0 [sflag:s0], s1  }
0x18b: {  	s1 =	ssub.s32 @!p0 $0x0, s1;
	[sflag:s0] =	ssyncset.done @!p0 $0x0  }
0x18c: {  	[sflag:s0] =	ssyncadd.s32 @!p0 s1  }
0x18d: {  	[bflag:$0x3] =	sbarrier.arrive $0xFFFF  }
0x18e: {  	_ =	shalt  }

</sc_bundles>
